<compile_context>
chip_gen: v7x
topology: tpu7x:2x2x1
jax: 0.10.2.dev20260603
libtpu: 0.0.44.dev20260713+nightly
codegen_flags: <defaults>
</compile_context>

<pallas_src>
import functools

import jax
import jax.numpy as jnp
from jax import lax
from jax.experimental import pallas as pl
from jax.experimental.pallas import tpu as pltpu
from jax.experimental.pallas import tpu_sc as plsc

_PAD = 1
_NC = 2
_NS = 16
_NW = _NC * _NS
_CHUNK = 8
_NSLOT = 4


@functools.lru_cache(maxsize=None)
def _make_kernel(n_rows, dim, seq):
    b_per_w = n_rows // _NW
    n_chunks = b_per_w // _CHUNK
    n_vregs = b_per_w // 16
    w_per_row = seq // b_per_w
    mesh = plsc.VectorSubcoreMesh(
        core_axis_name="c", subcore_axis_name="s",
        num_cores=_NC, num_subcores=_NS)

    @functools.partial(
        pl.kernel,
        out_type=jax.ShapeDtypeStruct((n_rows, dim), jnp.float32),
        mesh=mesh,
        scratch_types=[
            pltpu.VMEM((b_per_w,), jnp.int32),
            pltpu.VMEM((b_per_w,), jnp.int32),
            pltpu.SMEM((1,), jnp.int32),
            [pltpu.VMEM((_CHUNK, dim), jnp.float32) for _ in range(_NSLOT)],
            [pltpu.SemaphoreType.DMA for _ in range(_NSLOT)],
            [pltpu.SemaphoreType.DMA for _ in range(_NSLOT)],
        ],
    )
    def body(tok_hbm, table_hbm, out_hbm, tok_v, idx_v, acc_s,
             bufs, gsems, osems):
        cid = lax.axis_index("c")
        sid = lax.axis_index("s")
        wid = cid * _NS + sid
        base = wid * b_per_w

        acc_s[0] = 0
        iota16 = lax.broadcasted_iota(jnp.int32, (16,), 0)

        def vreg_cumsum(v):
            for k in (1, 2, 4, 8):
                idx = jnp.maximum(iota16 - k, 0)
                sh = lax.gather(
                    v, idx[:, None],
                    lax.GatherDimensionNumbers(
                        offset_dims=(), collapsed_slice_dims=(0,),
                        start_index_map=(0,)),
                    slice_sizes=(1,),
                    mode=lax.GatherScatterMode.PROMISE_IN_BOUNDS)
                v = v + jnp.where(iota16 >= k, sh, 0)
            return v
        pltpu.sync_copy(tok_hbm.at[pl.ds(base, b_per_w)], tok_v)

        def cs_step(i, carry):
            t = tok_v[pl.ds(i * 16, 16)]
            m = jnp.where(t != _PAD, 1, 0)
            c = vreg_cumsum(m) + carry
            idx_v[pl.ds(i * 16, 16)] = c
            return c[15]
        total = lax.fori_loop(0, n_vregs, cs_step, 0)

        plsc.subcore_barrier()
        group0 = (sid // w_per_row) * w_per_row
        for tgt in range(_NS):
            in_group = jnp.logical_and(tgt > sid, jnp.logical_and(
                tgt >= group0, tgt < group0 + w_per_row))
            delta = jnp.where(in_group, total, 0)
            plsc.fetch_and_add(acc_s.at[0], delta, subcore_id=tgt)
        plsc.subcore_barrier()
        prefix = acc_s[0]

        def pos_step(i, carry):
            t = tok_v[pl.ds(i * 16, 16)]
            m = jnp.where(t != _PAD, 1, 0)
            c = idx_v[pl.ds(i * 16, 16)]
            idx_v[pl.ds(i * 16, 16)] = (c + prefix) * m + _PAD
            return carry
        lax.fori_loop(0, n_vregs, pos_step, 0)

        def issue_gather(g, b):
            pltpu.async_copy(
                table_hbm.at[idx_v.at[pl.ds(g * _CHUNK, _CHUNK)]],
                bufs[b], gsems[b])

        def wait_gather(b):
            pltpu.make_async_copy(table_hbm.at[pl.ds(0, _CHUNK)],
                                  bufs[b], gsems[b]).wait()

        def issue_store(g, b):
            pltpu.async_copy(
                bufs[b], out_hbm.at[pl.ds(base + g * _CHUNK, _CHUNK)],
                osems[b])

        def wait_store(b):
            pltpu.make_async_copy(bufs[b], out_hbm.at[pl.ds(base, _CHUNK)],
                                  osems[b]).wait()

        issue_gather(0, 0)
        issue_gather(1, 1)

        def step(g, b):
            wait_gather(b)
            issue_store(g, b)

        for g in range(2):
            step(g, g % _NSLOT)
            issue_gather(g + 2, (g + 2) % _NSLOT)

        n_steady = n_chunks - 4
        assert n_steady % _NSLOT == 0 and n_chunks >= 8

        def loop_body(i, carry):
            for u in range(_NSLOT):
                g = 2 + i * _NSLOT + u
                b = (2 + u) % _NSLOT
                b2 = (4 + u) % _NSLOT
                step(g, b)
                wait_store(b2)
                issue_gather(g + 2, b2)
            return carry

        lax.fori_loop(0, n_steady // _NSLOT, loop_body, 0)

        for g in range(n_chunks - 2, n_chunks):
            step(g, g % _NSLOT)

        for b in range(_NSLOT):
            wait_store(b)

    return body


def kernel(input, weight):
    B, S = input.shape
    V, D = weight.shape
    out = _make_kernel(B * S, D, S)(input.reshape(B * S), weight)
    return out.reshape(B, S, D)

# --- scband reference (transcript-rebuilt; emitter-appended) ---
"""Pipeline reference for scband-poincare-learned-positional-embedding-56203942035754 (READ-ONLY COPY).

The authoritative reference and input builder live on the scoring server;
editing this copy changes nothing except your own understanding.
"""

import jax, jax.numpy as jnp
import numpy as np

NUM_EMB = 8194
DIM = 2048
PAD = 1
INIT_STD = 0.01
C = 1.0
BATCH = 4
SEQ = 8192
VOCAB = 50000


def _expmap0(u, c):
    # Poincare ball exponential map at the origin
    sqrt_c = jnp.sqrt(c)
    norm = jnp.clip(jnp.linalg.norm(u, axis=-1, keepdims=True), 1e-7, None)
    return jnp.tanh(sqrt_c * norm) * u / (sqrt_c * norm)


def _make_positions(tokens, padding_idx):
    # fairseq utils.make_positions: position ids start at padding_idx+1,
    # pad tokens get position padding_idx
    mask = (tokens != padding_idx).astype(jnp.int32)
    return jnp.cumsum(mask, axis=1) * mask + padding_idx


def setup_inputs(seed: int = 0) -> dict:
    key = jax.random.key(seed)
    k1, k2, k3 = jax.random.split(key, 3)
    tokens = jax.random.randint(k1, (BATCH, SEQ), 0, VOCAB, dtype=jnp.int32)
    # Poincare-ball initialization of the positional embedding table
    direction = jax.random.normal(k2, (NUM_EMB, DIM), dtype=jnp.float32)
    direction = direction / jnp.clip(jnp.linalg.norm(direction, axis=-1, keepdims=True), 1e-7, None)
    distance = jax.random.normal(k3, (NUM_EMB, 1), dtype=jnp.float32) * (INIT_STD / jnp.sqrt(C))
    weight = _expmap0(direction * distance, C)
    weight = weight.at[PAD].set(0.0)
    return {"input": tokens, "weight": weight}


def reference(input, weight):
    positions = _make_positions(input, PAD)
    # F.embedding(positions, weight, padding_idx): forward is a plain gather
    return jnp.take(weight, positions, axis=0)

if __name__ == "__main__":
    import jax
    _d = setup_inputs()
    print(jax.jit(kernel)(*tuple(_d.values())))

</pallas_src>

<mosaic_0001>
#map = affine_map<(d0, d1) -> (0)>
#map1 = affine_map<(d0, d1) -> (0, 0)>
module attributes {stable_mosaic.version = 14 : i64} {
  func.func @body(%arg0: i32, %arg1: i32, %arg2: memref<32768xi32, #tpu.memory_space<hbm>>, %arg3: memref<8194x2048xf32, #tpu.memory_space<hbm>>, %arg4: memref<32768x2048xf32, #tpu.memory_space<hbm>>, %arg5: memref<1024xi32, #tpu.memory_space<vmem>>, %arg6: memref<1024xi32, #tpu.memory_space<vmem>>, %arg7: memref<1xi32, #tpu.memory_space<smem>>, %arg8: memref<8x2048xf32, #tpu.memory_space<vmem>>, %arg9: memref<8x2048xf32, #tpu.memory_space<vmem>>, %arg10: memref<8x2048xf32, #tpu.memory_space<vmem>>, %arg11: memref<8x2048xf32, #tpu.memory_space<vmem>>, %arg12: memref<!tpu.dma_semaphore, #tpu.memory_space<semaphore_mem>>, %arg13: memref<!tpu.dma_semaphore, #tpu.memory_space<semaphore_mem>>, %arg14: memref<!tpu.dma_semaphore, #tpu.memory_space<semaphore_mem>>, %arg15: memref<!tpu.dma_semaphore, #tpu.memory_space<semaphore_mem>>, %arg16: memref<!tpu.dma_semaphore, #tpu.memory_space<semaphore_mem>>, %arg17: memref<!tpu.dma_semaphore, #tpu.memory_space<semaphore_mem>>, %arg18: memref<!tpu.dma_semaphore, #tpu.memory_space<semaphore_mem>>, %arg19: memref<!tpu.dma_semaphore, #tpu.memory_space<semaphore_mem>>) attributes {dimension_semantics = [#tpu.dimension_semantics<core_parallel>, #tpu.dimension_semantics<subcore_parallel>], iteration_bounds = array<i64: 2, 16>, scalar_prefetch = 0 : i64, scratch_operands = 15 : i64, tpu.core_type = #tpu.core_type<sc_vector_subcore>, window_params = [{transform_indices = #map}, {transform_indices = #map1}, {transform_indices = #map1}]} {
    %mul3A = arith.constant 16 : i32
    %mul3A_0 = arith.muli %arg0, %mul3A : i32
    %add3A = arith.addi %mul3A_0, %arg1 : i32
    %mul3A_1 = arith.constant 1024 : i32
    %mul3A_2 = arith.muli %add3A, %mul3A_1 : i32
    %swap3A = arith.constant 0 : i32
    %swap3A_3 = arith.constant 0 : i32
    %swap3A_4 = arith.index_cast %swap3A_3 : i32 to index
    %swap3A_5 = memref.load %arg7[%swap3A_4] : memref<1xi32, #tpu.memory_space<smem>>
    memref.store %swap3A, %arg7[%swap3A_4] : memref<1xi32, #tpu.memory_space<smem>>
    %iota3A = tpu.iota {dimensions = array<i32: 0>} : vector<16xi32>
    "tpu.region"() ({
      %run_scoped3A = tpu.sem_alloc : memref<!tpu.dma_semaphore, #tpu.memory_space<semaphore_mem>>
      %dma_start3A_363 = tpu.memref_slice %arg2[%mul3A_2] : memref<32768xi32, #tpu.memory_space<hbm>> -> memref<1024xi32, #tpu.memory_space<hbm>>
      %dma_start3A_364 = tpu.memref_slice %arg2[%mul3A_2] : memref<32768xi32, #tpu.memory_space<hbm>> -> memref<1024xi32, #tpu.memory_space<hbm>>
      tpu.enqueue_dma source(%dma_start3A_364 : memref<1024xi32, #tpu.memory_space<hbm>>) target(%arg5 : memref<1024xi32, #tpu.memory_space<vmem>>) target_semaphore(%run_scoped3A : memref<!tpu.dma_semaphore, #tpu.memory_space<semaphore_mem>>)
      %dma_wait3A_365 = tpu.memref_slice %arg2[%mul3A_2] : memref<32768xi32, #tpu.memory_space<hbm>> -> memref<1024xi32, #tpu.memory_space<hbm>>
      %dma_wait3A_366 = tpu.memref_slice %arg2[%mul3A_2] : memref<32768xi32, #tpu.memory_space<hbm>> -> memref<1024xi32, #tpu.memory_space<hbm>>
      tpu.wait_dma2 semaphore(%run_scoped3A : memref<!tpu.dma_semaphore, #tpu.memory_space<semaphore_mem>>) src(%dma_wait3A_366 : memref<1024xi32, #tpu.memory_space<hbm>>) dst(%arg5 : memref<1024xi32, #tpu.memory_space<vmem>>)
      tpu.yield
    }) : () -> ()
    %scan3A = arith.constant 0 : i32
    %scan3A_6 = arith.constant 0 : i32
    %scan3A_7 = arith.constant 64 : i32
    %scan3A_8 = arith.addi %scan3A_6, %scan3A_7 : i32
    %scan3A_9 = arith.constant 1 : i32
    %scan3A_10 = scf.for %scan3A_363 = %scan3A_6 to %scan3A_8 step %scan3A_9 iter_args(%scan3A_364 = %scan3A) -> (i32)  : i32 {
      %mul3A_365 = arith.constant 16 : i32
      %mul3A_366 = arith.muli %scan3A_363, %mul3A_365 : i32
      %get3A_367 = arith.index_cast %mul3A_366 : i32 to index
      %get3A_368 = tpu.vector_load %arg5[%get3A_367] {strides = array<i32>} : memref<1024xi32, #tpu.memory_space<vmem>>, vector<16xi32>,
      %get3A_369 = vector.shape_cast %get3A_368 : vector<16xi32> to vector<16xi32>
      %ne3A_370 = arith.constant 1 : i32
      %ne3A_371 = vector.broadcast %ne3A_370 : i32 to vector<16xi32>
      %ne3A_372 = arith.cmpi ne, %get3A_369, %ne3A_371 : vector<16xi32>
      %jit3A_373 = arith.constant 1 : i32
      %jit3A_374 = arith.constant 0 : i32
      %broadcast_in_dim3A = vector.broadcast %jit3A_373 : i32 to vector<16xi32>
      %broadcast_in_dim3A_375 = vector.broadcast %jit3A_374 : i32 to vector<16xi32>
      %select_n3A_376 = arith.select %ne3A_372, %broadcast_in_dim3A, %broadcast_in_dim3A_375 : vector<16xi1>, vector<16xi32>
      %sub3A_377 = arith.constant 1 : i32
      %sub3A_378 = vector.broadcast %sub3A_377 : i32 to vector<16xi32>
      %sub3A_379 = arith.subi %iota3A, %sub3A_378 : vector<16xi32>
      %max3A = arith.constant 0 : i32
      %max3A_380 = vector.broadcast %max3A : i32 to vector<16xi32>
      %max3A_381 = arith.maxsi %sub3A_379, %max3A_380 : vector<16xi32>
      %broadcast_in_dim3A_382 = vector.shape_cast %max3A_381 : vector<16xi32> to vector<16x1xi32>
      %gather3A = vector.shape_cast %broadcast_in_dim3A_382 : vector<16x1xi32> to vector<16xi32>
      %gather3A_383 = tpu.dynamic_gather %select_n3A_376[%gather3A] in [0] : vector<16xi32>, vector<16xi32> -> vector<16xi32>
      %ge3A = arith.constant 1 : i32
      %ge3A_384 = vector.broadcast %ge3A : i32 to vector<16xi32>
      %ge3A_385 = arith.cmpi sge, %iota3A, %ge3A_384 : vector<16xi32>
      %jit3A_386 = arith.constant 0 : i32
      %broadcast_in_dim3A_387 = vector.broadcast %jit3A_386 : i32 to vector<16xi32>
      %select_n3A_388 = arith.select %ge3A_385, %gather3A_383, %broadcast_in_dim3A_387 : vector<16xi1>, vector<16xi32>
      %add3A_389 = arith.addi %select_n3A_376, %select_n3A_388 : vector<16xi32>
      %sub3A_390 = arith.constant 2 : i32
      %sub3A_391 = vector.broadcast %sub3A_390 : i32 to vector<16xi32>
      %sub3A_392 = arith.subi %iota3A, %sub3A_391 : vector<16xi32>
      %max3A_393 = arith.constant 0 : i32
      %max3A_394 = vector.broadcast %max3A_393 : i32 to vector<16xi32>
      %max3A_395 = arith.maxsi %sub3A_392, %max3A_394 : vector<16xi32>
      %broadcast_in_dim3A_396 = vector.shape_cast %max3A_395 : vector<16xi32> to vector<16x1xi32>
      %gather3A_397 = vector.shape_cast %broadcast_in_dim3A_396 : vector<16x1xi32> to vector<16xi32>
      %gather3A_398 = tpu.dynamic_gather %add3A_389[%gather3A_397] in [0] : vector<16xi32>, vector<16xi32> -> vector<16xi32>
      %ge3A_399 = arith.constant 2 : i32
      %ge3A_400 = vector.broadcast %ge3A_399 : i32 to vector<16xi32>
      %ge3A_401 = arith.cmpi sge, %iota3A, %ge3A_400 : vector<16xi32>
      %jit3A_402 = arith.constant 0 : i32
      %broadcast_in_dim3A_403 = vector.broadcast %jit3A_402 : i32 to vector<16xi32>
      %select_n3A_404 = arith.select %ge3A_401, %gather3A_398, %broadcast_in_dim3A_403 : vector<16xi1>, vector<16xi32>
      %add3A_405 = arith.addi %add3A_389, %select_n3A_404 : vector<16xi32>
      %sub3A_406 = arith.constant 4 : i32
      %sub3A_407 = vector.broadcast %sub3A_406 : i32 to vector<16xi32>
      %sub3A_408 = arith.subi %iota3A, %sub3A_407 : vector<16xi32>
      %max3A_409 = arith.constant 0 : i32
      %max3A_410 = vector.broadcast %max3A_409 : i32 to vector<16xi32>
      %max3A_411 = arith.maxsi %sub3A_408, %max3A_410 : vector<16xi32>
      %broadcast_in_dim3A_412 = vector.shape_cast %max3A_411 : vector<16xi32> to vector<16x1xi32>
      %gather3A_413 = vector.shape_cast %broadcast_in_dim3A_412 : vector<16x1xi32> to vector<16xi32>
      %gather3A_414 = tpu.dynamic_gather %add3A_405[%gather3A_413] in [0] : vector<16xi32>, vector<16xi32> -> vector<16xi32>
      %ge3A_415 = arith.constant 4 : i32
      %ge3A_416 = vector.broadcast %ge3A_415 : i32 to vector<16xi32>
      %ge3A_417 = arith.cmpi sge, %iota3A, %ge3A_416 : vector<16xi32>
      %jit3A_418 = arith.constant 0 : i32
      %broadcast_in_dim3A_419 = vector.broadcast %jit3A_418 : i32 to vector<16xi32>
      %select_n3A_420 = arith.select %ge3A_417, %gather3A_414, %broadcast_in_dim3A_419 : vector<16xi1>, vector<16xi32>
      %add3A_421 = arith.addi %add3A_405, %select_n3A_420 : vector<16xi32>
      %sub3A_422 = arith.constant 8 : i32
      %sub3A_423 = vector.broadcast %sub3A_422 : i32 to vector<16xi32>
      %sub3A_424 = arith.subi %iota3A, %sub3A_423 : vector<16xi32>
      %max3A_425 = arith.constant 0 : i32
      %max3A_426 = vector.broadcast %max3A_425 : i32 to vector<16xi32>
      %max3A_427 = arith.maxsi %sub3A_424, %max3A_426 : vector<16xi32>
      %broadcast_in_dim3A_428 = vector.shape_cast %max3A_427 : vector<16xi32> to vector<16x1xi32>
      %gather3A_429 = vector.shape_cast %broadcast_in_dim3A_428 : vector<16x1xi32> to vector<16xi32>
      %gather3A_430 = tpu.dynamic_gather %add3A_421[%gather3A_429] in [0] : vector<16xi32>, vector<16xi32> -> vector<16xi32>
      %ge3A_431 = arith.constant 8 : i32
      %ge3A_432 = vector.broadcast %ge3A_431 : i32 to vector<16xi32>
      %ge3A_433 = arith.cmpi sge, %iota3A, %ge3A_432 : vector<16xi32>
      %jit3A_434 = arith.constant 0 : i32
      %broadcast_in_dim3A_435 = vector.broadcast %jit3A_434 : i32 to vector<16xi32>
      %select_n3A_436 = arith.select %ge3A_433, %gather3A_430, %broadcast_in_dim3A_435 : vector<16xi1>, vector<16xi32>
      %add3A_437 = arith.addi %add3A_421, %select_n3A_436 : vector<16xi32>
      %add3A_438 = vector.broadcast %scan3A_364 : i32 to vector<16xi32>
      %add3A_439 = arith.addi %add3A_437, %add3A_438 : vector<16xi32>
      %mul3A_440 = arith.constant 16 : i32
      %mul3A_441 = arith.muli %scan3A_363, %mul3A_440 : i32
      %swap3A_442 = arith.index_cast %mul3A_441 : i32 to index
      %swap3A_443 = tpu.vector_load %arg6[%swap3A_442] {strides = array<i32>} : memref<1024xi32, #tpu.memory_space<vmem>>, vector<16xi32>,
      %swap3A_444 = vector.shape_cast %swap3A_443 : vector<16xi32> to vector<16xi32>
      %swap3A_445 = vector.shape_cast %add3A_439 : vector<16xi32> to vector<16xi32>
      tpu.vector_store %arg6[%swap3A_442], %swap3A_445 {strides = array<i32>} : memref<1024xi32, #tpu.memory_space<vmem>>, vector<16xi32>,
      %slice3A = vector.extract_strided_slice %add3A_439 {offsets = [15], sizes = [1], strides = [1]} : vector<16xi32> to vector<1xi32>
      %squeeze3A = vector.extract %slice3A[0] : i32 from vector<1xi32>
      scf.yield %squeeze3A : i32
    }
    %scan3A_11 = arith.constant 64 : i32
    %barrier3A = arith.constant 0 : index
    tpu.barrier barrier_id(%barrier3A)
    %jit3A = arith.constant 8 : i32
    %div3A = arith.divsi %arg1, %jit3A : i32
    %sign3A = arith.constant 0 : i32
    %sign3A_12 = arith.cmpi sgt, %arg1, %sign3A : i32
    %sign3A_13 = arith.extui %sign3A_12 : i1 to i32
    %sign3A_14 = arith.constant 0 : i32
    %sign3A_15 = arith.cmpi slt, %arg1, %sign3A_14 : i32
    %sign3A_16 = arith.extui %sign3A_15 : i1 to i32
    %sign3A_17 = arith.subi %sign3A_13, %sign3A_16 : i32
    %sign3A_18 = arith.constant 0 : i32
    %sign3A_19 = arith.cmpi sgt, %jit3A, %sign3A_18 : i32
    %sign3A_20 = arith.extui %sign3A_19 : i1 to i32
    %sign3A_21 = arith.constant 0 : i32
    %sign3A_22 = arith.cmpi slt, %jit3A, %sign3A_21 : i32
    %sign3A_23 = arith.extui %sign3A_22 : i1 to i32
    %sign3A_24 = arith.subi %sign3A_20, %sign3A_23 : i32
    %ne3A = arith.cmpi ne, %sign3A_17, %sign3A_24 : i32
    %rem3A = arith.remsi %arg1, %jit3A : i32
    %ne3A_25 = arith.constant 0 : i32
    %ne3A_26 = arith.cmpi ne, %rem3A, %ne3A_25 : i32
    %and3A = arith.andi %ne3A, %ne3A_26 : i1
    %sub3A = arith.constant 1 : i32
    %sub3A_27 = arith.subi %div3A, %sub3A : i32
    %select_n3A = arith.select %and3A, %sub3A_27, %div3A : i32
    %mul3A_28 = arith.constant 8 : i32
    %mul3A_29 = arith.muli %select_n3A, %mul3A_28 : i32
    %lt3A = arith.constant 0 : i32
    %lt3A_30 = arith.cmpi slt, %arg1, %lt3A : i32
    %le3A = arith.constant 0 : i32
    %le3A_31 = arith.cmpi sle, %mul3A_29, %le3A : i32
    %add3A_32 = arith.constant 8 : i32
    %add3A_33 = arith.addi %mul3A_29, %add3A_32 : i32
    %gt3A = arith.constant 0 : i32
    %gt3A_34 = arith.cmpi sgt, %add3A_33, %gt3A : i32
    %and3A_35 = arith.andi %le3A_31, %gt3A_34 : i1
    %and3A_36 = arith.andi %lt3A_30, %and3A_35 : i1
    %jit3A_37 = arith.constant 0 : i32
    %select_n3A_38 = arith.select %and3A_36, %scan3A_10, %jit3A_37 : i32
    %sc_fetch_and_add3A = arith.constant 0 : i32
    %sc_fetch_and_add3A_39 = arith.constant 0 : i32
    %sc_fetch_and_add3A_40 = tpu.fetch_and_add_sync %arg7[%sc_fetch_and_add3A], %select_n3A_38, %sc_fetch_and_add3A_39 : memref<1xi32, #tpu.memory_space<smem>>, i32 -> i32
    %lt3A_41 = arith.constant 1 : i32
    %lt3A_42 = arith.cmpi slt, %arg1, %lt3A_41 : i32
    %le3A_43 = arith.constant 1 : i32
    %le3A_44 = arith.cmpi sle, %mul3A_29, %le3A_43 : i32
    %add3A_45 = arith.constant 8 : i32
    %add3A_46 = arith.addi %mul3A_29, %add3A_45 : i32
    %gt3A_47 = arith.constant 1 : i32
    %gt3A_48 = arith.cmpi sgt, %add3A_46, %gt3A_47 : i32
    %and3A_49 = arith.andi %le3A_44, %gt3A_48 : i1
    %and3A_50 = arith.andi %lt3A_42, %and3A_49 : i1
    %jit3A_51 = arith.constant 0 : i32
    %select_n3A_52 = arith.select %and3A_50, %scan3A_10, %jit3A_51 : i32
    %sc_fetch_and_add3A_53 = arith.constant 0 : i32
    %sc_fetch_and_add3A_54 = arith.constant 1 : i32
    %sc_fetch_and_add3A_55 = tpu.fetch_and_add_sync %arg7[%sc_fetch_and_add3A_53], %select_n3A_52, %sc_fetch_and_add3A_54 : memref<1xi32, #tpu.memory_space<smem>>, i32 -> i32
    %lt3A_56 = arith.constant 2 : i32
    %lt3A_57 = arith.cmpi slt, %arg1, %lt3A_56 : i32
    %le3A_58 = arith.constant 2 : i32
    %le3A_59 = arith.cmpi sle, %mul3A_29, %le3A_58 : i32
    %add3A_60 = arith.constant 8 : i32
    %add3A_61 = arith.addi %mul3A_29, %add3A_60 : i32
    %gt3A_62 = arith.constant 2 : i32
    %gt3A_63 = arith.cmpi sgt, %add3A_61, %gt3A_62 : i32
    %and3A_64 = arith.andi %le3A_59, %gt3A_63 : i1
    %and3A_65 = arith.andi %lt3A_57, %and3A_64 : i1
    %jit3A_66 = arith.constant 0 : i32
    %select_n3A_67 = arith.select %and3A_65, %scan3A_10, %jit3A_66 : i32
    %sc_fetch_and_add3A_68 = arith.constant 0 : i32
    %sc_fetch_and_add3A_69 = arith.constant 2 : i32
    %sc_fetch_and_add3A_70 = tpu.fetch_and_add_sync %arg7[%sc_fetch_and_add3A_68], %select_n3A_67, %sc_fetch_and_add3A_69 : memref<1xi32, #tpu.memory_space<smem>>, i32 -> i32
    %lt3A_71 = arith.constant 3 : i32
    %lt3A_72 = arith.cmpi slt, %arg1, %lt3A_71 : i32
    %le3A_73 = arith.constant 3 : i32
    %le3A_74 = arith.cmpi sle, %mul3A_29, %le3A_73 : i32
    %add3A_75 = arith.constant 8 : i32
    %add3A_76 = arith.addi %mul3A_29, %add3A_75 : i32
    %gt3A_77 = arith.constant 3 : i32
    %gt3A_78 = arith.cmpi sgt, %add3A_76, %gt3A_77 : i32
    %and3A_79 = arith.andi %le3A_74, %gt3A_78 : i1
    %and3A_80 = arith.andi %lt3A_72, %and3A_79 : i1
    %jit3A_81 = arith.constant 0 : i32
    %select_n3A_82 = arith.select %and3A_80, %scan3A_10, %jit3A_81 : i32
    %sc_fetch_and_add3A_83 = arith.constant 0 : i32
    %sc_fetch_and_add3A_84 = arith.constant 3 : i32
    %sc_fetch_and_add3A_85 = tpu.fetch_and_add_sync %arg7[%sc_fetch_and_add3A_83], %select_n3A_82, %sc_fetch_and_add3A_84 : memref<1xi32, #tpu.memory_space<smem>>, i32 -> i32
    %lt3A_86 = arith.constant 4 : i32
    %lt3A_87 = arith.cmpi slt, %arg1, %lt3A_86 : i32
    %le3A_88 = arith.constant 4 : i32
    %le3A_89 = arith.cmpi sle, %mul3A_29, %le3A_88 : i32
    %add3A_90 = arith.constant 8 : i32
    %add3A_91 = arith.addi %mul3A_29, %add3A_90 : i32
    %gt3A_92 = arith.constant 4 : i32
    %gt3A_93 = arith.cmpi sgt, %add3A_91, %gt3A_92 : i32
    %and3A_94 = arith.andi %le3A_89, %gt3A_93 : i1
    %and3A_95 = arith.andi %lt3A_87, %and3A_94 : i1
    %jit3A_96 = arith.constant 0 : i32
    %select_n3A_97 = arith.select %and3A_95, %scan3A_10, %jit3A_96 : i32
    %sc_fetch_and_add3A_98 = arith.constant 0 : i32
    %sc_fetch_and_add3A_99 = arith.constant 4 : i32
    %sc_fetch_and_add3A_100 = tpu.fetch_and_add_sync %arg7[%sc_fetch_and_add3A_98], %select_n3A_97, %sc_fetch_and_add3A_99 : memref<1xi32, #tpu.memory_space<smem>>, i32 -> i32
    %lt3A_101 = arith.constant 5 : i32
    %lt3A_102 = arith.cmpi slt, %arg1, %lt3A_101 : i32
    %le3A_103 = arith.constant 5 : i32
    %le3A_104 = arith.cmpi sle, %mul3A_29, %le3A_103 : i32
    %add3A_105 = arith.constant 8 : i32
    %add3A_106 = arith.addi %mul3A_29, %add3A_105 : i32
    %gt3A_107 = arith.constant 5 : i32
    %gt3A_108 = arith.cmpi sgt, %add3A_106, %gt3A_107 : i32
    %and3A_109 = arith.andi %le3A_104, %gt3A_108 : i1
    %and3A_110 = arith.andi %lt3A_102, %and3A_109 : i1
    %jit3A_111 = arith.constant 0 : i32
    %select_n3A_112 = arith.select %and3A_110, %scan3A_10, %jit3A_111 : i32
    %sc_fetch_and_add3A_113 = arith.constant 0 : i32
    %sc_fetch_and_add3A_114 = arith.constant 5 : i32
    %sc_fetch_and_add3A_115 = tpu.fetch_and_add_sync %arg7[%sc_fetch_and_add3A_113], %select_n3A_112, %sc_fetch_and_add3A_114 : memref<1xi32, #tpu.memory_space<smem>>, i32 -> i32
    %lt3A_116 = arith.constant 6 : i32
    %lt3A_117 = arith.cmpi slt, %arg1, %lt3A_116 : i32
    %le3A_118 = arith.constant 6 : i32
    %le3A_119 = arith.cmpi sle, %mul3A_29, %le3A_118 : i32
    %add3A_120 = arith.constant 8 : i32
    %add3A_121 = arith.addi %mul3A_29, %add3A_120 : i32
    %gt3A_122 = arith.constant 6 : i32
    %gt3A_123 = arith.cmpi sgt, %add3A_121, %gt3A_122 : i32
    %and3A_124 = arith.andi %le3A_119, %gt3A_123 : i1
    %and3A_125 = arith.andi %lt3A_117, %and3A_124 : i1
    %jit3A_126 = arith.constant 0 : i32
    %select_n3A_127 = arith.select %and3A_125, %scan3A_10, %jit3A_126 : i32
    %sc_fetch_and_add3A_128 = arith.constant 0 : i32
    %sc_fetch_and_add3A_129 = arith.constant 6 : i32
    %sc_fetch_and_add3A_130 = tpu.fetch_and_add_sync %arg7[%sc_fetch_and_add3A_128], %select_n3A_127, %sc_fetch_and_add3A_129 : memref<1xi32, #tpu.memory_space<smem>>, i32 -> i32
    %lt3A_131 = arith.constant 7 : i32
    %lt3A_132 = arith.cmpi slt, %arg1, %lt3A_131 : i32
    %le3A_133 = arith.constant 7 : i32
    %le3A_134 = arith.cmpi sle, %mul3A_29, %le3A_133 : i32
    %add3A_135 = arith.constant 8 : i32
    %add3A_136 = arith.addi %mul3A_29, %add3A_135 : i32
    %gt3A_137 = arith.constant 7 : i32
    %gt3A_138 = arith.cmpi sgt, %add3A_136, %gt3A_137 : i32
    %and3A_139 = arith.andi %le3A_134, %gt3A_138 : i1
    %and3A_140 = arith.andi %lt3A_132, %and3A_139 : i1
    %jit3A_141 = arith.constant 0 : i32
    %select_n3A_142 = arith.select %and3A_140, %scan3A_10, %jit3A_141 : i32
    %sc_fetch_and_add3A_143 = arith.constant 0 : i32
    %sc_fetch_and_add3A_144 = arith.constant 7 : i32
    %sc_fetch_and_add3A_145 = tpu.fetch_and_add_sync %arg7[%sc_fetch_and_add3A_143], %select_n3A_142, %sc_fetch_and_add3A_144 : memref<1xi32, #tpu.memory_space<smem>>, i32 -> i32
    %lt3A_146 = arith.constant 8 : i32
    %lt3A_147 = arith.cmpi slt, %arg1, %lt3A_146 : i32
    %le3A_148 = arith.constant 8 : i32
    %le3A_149 = arith.cmpi sle, %mul3A_29, %le3A_148 : i32
    %add3A_150 = arith.constant 8 : i32
    %add3A_151 = arith.addi %mul3A_29, %add3A_150 : i32
    %gt3A_152 = arith.constant 8 : i32
    %gt3A_153 = arith.cmpi sgt, %add3A_151, %gt3A_152 : i32
    %and3A_154 = arith.andi %le3A_149, %gt3A_153 : i1
    %and3A_155 = arith.andi %lt3A_147, %and3A_154 : i1
    %jit3A_156 = arith.constant 0 : i32
    %select_n3A_157 = arith.select %and3A_155, %scan3A_10, %jit3A_156 : i32
    %sc_fetch_and_add3A_158 = arith.constant 0 : i32
    %sc_fetch_and_add3A_159 = arith.constant 8 : i32
    %sc_fetch_and_add3A_160 = tpu.fetch_and_add_sync %arg7[%sc_fetch_and_add3A_158], %select_n3A_157, %sc_fetch_and_add3A_159 : memref<1xi32, #tpu.memory_space<smem>>, i32 -> i32
    %lt3A_161 = arith.constant 9 : i32
    %lt3A_162 = arith.cmpi slt, %arg1, %lt3A_161 : i32
    %le3A_163 = arith.constant 9 : i32
    %le3A_164 = arith.cmpi sle, %mul3A_29, %le3A_163 : i32
    %add3A_165 = arith.constant 8 : i32
    %add3A_166 = arith.addi %mul3A_29, %add3A_165 : i32
    %gt3A_167 = arith.constant 9 : i32
    %gt3A_168 = arith.cmpi sgt, %add3A_166, %gt3A_167 : i32
    %and3A_169 = arith.andi %le3A_164, %gt3A_168 : i1
    %and3A_170 = arith.andi %lt3A_162, %and3A_169 : i1
    %jit3A_171 = arith.constant 0 : i32
    %select_n3A_172 = arith.select %and3A_170, %scan3A_10, %jit3A_171 : i32
    %sc_fetch_and_add3A_173 = arith.constant 0 : i32
    %sc_fetch_and_add3A_174 = arith.constant 9 : i32
    %sc_fetch_and_add3A_175 = tpu.fetch_and_add_sync %arg7[%sc_fetch_and_add3A_173], %select_n3A_172, %sc_fetch_and_add3A_174 : memref<1xi32, #tpu.memory_space<smem>>, i32 -> i32
    %lt3A_176 = arith.constant 10 : i32
    %lt3A_177 = arith.cmpi slt, %arg1, %lt3A_176 : i32
    %le3A_178 = arith.constant 10 : i32
    %le3A_179 = arith.cmpi sle, %mul3A_29, %le3A_178 : i32
    %add3A_180 = arith.constant 8 : i32
    %add3A_181 = arith.addi %mul3A_29, %add3A_180 : i32
    %gt3A_182 = arith.constant 10 : i32
    %gt3A_183 = arith.cmpi sgt, %add3A_181, %gt3A_182 : i32
    %and3A_184 = arith.andi %le3A_179, %gt3A_183 : i1
    %and3A_185 = arith.andi %lt3A_177, %and3A_184 : i1
    %jit3A_186 = arith.constant 0 : i32
    %select_n3A_187 = arith.select %and3A_185, %scan3A_10, %jit3A_186 : i32
    %sc_fetch_and_add3A_188 = arith.constant 0 : i32
    %sc_fetch_and_add3A_189 = arith.constant 10 : i32
    %sc_fetch_and_add3A_190 = tpu.fetch_and_add_sync %arg7[%sc_fetch_and_add3A_188], %select_n3A_187, %sc_fetch_and_add3A_189 : memref<1xi32, #tpu.memory_space<smem>>, i32 -> i32
    %lt3A_191 = arith.constant 11 : i32
    %lt3A_192 = arith.cmpi slt, %arg1, %lt3A_191 : i32
    %le3A_193 = arith.constant 11 : i32
    %le3A_194 = arith.cmpi sle, %mul3A_29, %le3A_193 : i32
    %add3A_195 = arith.constant 8 : i32
    %add3A_196 = arith.addi %mul3A_29, %add3A_195 : i32
    %gt3A_197 = arith.constant 11 : i32
    %gt3A_198 = arith.cmpi sgt, %add3A_196, %gt3A_197 : i32
    %and3A_199 = arith.andi %le3A_194, %gt3A_198 : i1
    %and3A_200 = arith.andi %lt3A_192, %and3A_199 : i1
    %jit3A_201 = arith.constant 0 : i32
    %select_n3A_202 = arith.select %and3A_200, %scan3A_10, %jit3A_201 : i32
    %sc_fetch_and_add3A_203 = arith.constant 0 : i32
    %sc_fetch_and_add3A_204 = arith.constant 11 : i32
    %sc_fetch_and_add3A_205 = tpu.fetch_and_add_sync %arg7[%sc_fetch_and_add3A_203], %select_n3A_202, %sc_fetch_and_add3A_204 : memref<1xi32, #tpu.memory_space<smem>>, i32 -> i32
    %lt3A_206 = arith.constant 12 : i32
    %lt3A_207 = arith.cmpi slt, %arg1, %lt3A_206 : i32
    %le3A_208 = arith.constant 12 : i32
    %le3A_209 = arith.cmpi sle, %mul3A_29, %le3A_208 : i32
    %add3A_210 = arith.constant 8 : i32
    %add3A_211 = arith.addi %mul3A_29, %add3A_210 : i32
    %gt3A_212 = arith.constant 12 : i32
    %gt3A_213 = arith.cmpi sgt, %add3A_211, %gt3A_212 : i32
    %and3A_214 = arith.andi %le3A_209, %gt3A_213 : i1
    %and3A_215 = arith.andi %lt3A_207, %and3A_214 : i1
    %jit3A_216 = arith.constant 0 : i32
    %select_n3A_217 = arith.select %and3A_215, %scan3A_10, %jit3A_216 : i32
    %sc_fetch_and_add3A_218 = arith.constant 0 : i32
    %sc_fetch_and_add3A_219 = arith.constant 12 : i32
    %sc_fetch_and_add3A_220 = tpu.fetch_and_add_sync %arg7[%sc_fetch_and_add3A_218], %select_n3A_217, %sc_fetch_and_add3A_219 : memref<1xi32, #tpu.memory_space<smem>>, i32 -> i32
    %lt3A_221 = arith.constant 13 : i32
    %lt3A_222 = arith.cmpi slt, %arg1, %lt3A_221 : i32
    %le3A_223 = arith.constant 13 : i32
    %le3A_224 = arith.cmpi sle, %mul3A_29, %le3A_223 : i32
    %add3A_225 = arith.constant 8 : i32
    %add3A_226 = arith.addi %mul3A_29, %add3A_225 : i32
    %gt3A_227 = arith.constant 13 : i32
    %gt3A_228 = arith.cmpi sgt, %add3A_226, %gt3A_227 : i32
    %and3A_229 = arith.andi %le3A_224, %gt3A_228 : i1
    %and3A_230 = arith.andi %lt3A_222, %and3A_229 : i1
    %jit3A_231 = arith.constant 0 : i32
    %select_n3A_232 = arith.select %and3A_230, %scan3A_10, %jit3A_231 : i32
    %sc_fetch_and_add3A_233 = arith.constant 0 : i32
    %sc_fetch_and_add3A_234 = arith.constant 13 : i32
    %sc_fetch_and_add3A_235 = tpu.fetch_and_add_sync %arg7[%sc_fetch_and_add3A_233], %select_n3A_232, %sc_fetch_and_add3A_234 : memref<1xi32, #tpu.memory_space<smem>>, i32 -> i32
    %lt3A_236 = arith.constant 14 : i32
    %lt3A_237 = arith.cmpi slt, %arg1, %lt3A_236 : i32
    %le3A_238 = arith.constant 14 : i32
    %le3A_239 = arith.cmpi sle, %mul3A_29, %le3A_238 : i32
    %add3A_240 = arith.constant 8 : i32
    %add3A_241 = arith.addi %mul3A_29, %add3A_240 : i32
    %gt3A_242 = arith.constant 14 : i32
    %gt3A_243 = arith.cmpi sgt, %add3A_241, %gt3A_242 : i32
    %and3A_244 = arith.andi %le3A_239, %gt3A_243 : i1
    %and3A_245 = arith.andi %lt3A_237, %and3A_244 : i1
    %jit3A_246 = arith.constant 0 : i32
    %select_n3A_247 = arith.select %and3A_245, %scan3A_10, %jit3A_246 : i32
    %sc_fetch_and_add3A_248 = arith.constant 0 : i32
    %sc_fetch_and_add3A_249 = arith.constant 14 : i32
    %sc_fetch_and_add3A_250 = tpu.fetch_and_add_sync %arg7[%sc_fetch_and_add3A_248], %select_n3A_247, %sc_fetch_and_add3A_249 : memref<1xi32, #tpu.memory_space<smem>>, i32 -> i32
    %lt3A_251 = arith.constant 15 : i32
    %lt3A_252 = arith.cmpi slt, %arg1, %lt3A_251 : i32
    %le3A_253 = arith.constant 15 : i32
    %le3A_254 = arith.cmpi sle, %mul3A_29, %le3A_253 : i32
    %add3A_255 = arith.constant 8 : i32
    %add3A_256 = arith.addi %mul3A_29, %add3A_255 : i32
    %gt3A_257 = arith.constant 15 : i32
    %gt3A_258 = arith.cmpi sgt, %add3A_256, %gt3A_257 : i32
    %and3A_259 = arith.andi %le3A_254, %gt3A_258 : i1
    %and3A_260 = arith.andi %lt3A_252, %and3A_259 : i1
    %jit3A_261 = arith.constant 0 : i32
    %select_n3A_262 = arith.select %and3A_260, %scan3A_10, %jit3A_261 : i32
    %sc_fetch_and_add3A_263 = arith.constant 0 : i32
    %sc_fetch_and_add3A_264 = arith.constant 15 : i32
    %sc_fetch_and_add3A_265 = tpu.fetch_and_add_sync %arg7[%sc_fetch_and_add3A_263], %select_n3A_262, %sc_fetch_and_add3A_264 : memref<1xi32, #tpu.memory_space<smem>>, i32 -> i32
    %barrier3A_266 = arith.constant 0 : index
    tpu.barrier barrier_id(%barrier3A_266)
    %get3A = arith.constant 0 : i32
    %get3A_267 = arith.index_cast %get3A : i32 to index
    %get3A_268 = memref.load %arg7[%get3A_267] : memref<1xi32, #tpu.memory_space<smem>>
    %scan3A_269 = arith.constant 0 : i32
    %scan3A_270 = arith.constant 0 : i32
    %scan3A_271 = arith.constant 64 : i32
    %scan3A_272 = arith.addi %scan3A_270, %scan3A_271 : i32
    %scan3A_273 = arith.constant 1 : i32
    scf.for %scan3A_363 = %scan3A_270 to %scan3A_272 step %scan3A_273  : i32 {
      %mul3A_364 = arith.constant 16 : i32
      %mul3A_365 = arith.muli %scan3A_363, %mul3A_364 : i32
      %get3A_366 = arith.index_cast %mul3A_365 : i32 to index
      %get3A_367 = tpu.vector_load %arg5[%get3A_366] {strides = array<i32>} : memref<1024xi32, #tpu.memory_space<vmem>>, vector<16xi32>,
      %get3A_368 = vector.shape_cast %get3A_367 : vector<16xi32> to vector<16xi32>
      %ne3A_369 = arith.constant 1 : i32
      %ne3A_370 = vector.broadcast %ne3A_369 : i32 to vector<16xi32>
      %ne3A_371 = arith.cmpi ne, %get3A_368, %ne3A_370 : vector<16xi32>
      %jit3A_372 = arith.constant 1 : i32
      %jit3A_373 = arith.constant 0 : i32
      %broadcast_in_dim3A = vector.broadcast %jit3A_372 : i32 to vector<16xi32>
      %broadcast_in_dim3A_374 = vector.broadcast %jit3A_373 : i32 to vector<16xi32>
      %select_n3A_375 = arith.select %ne3A_371, %broadcast_in_dim3A, %broadcast_in_dim3A_374 : vector<16xi1>, vector<16xi32>
      %mul3A_376 = arith.constant 16 : i32
      %mul3A_377 = arith.muli %scan3A_363, %mul3A_376 : i32
      %get3A_378 = arith.index_cast %mul3A_377 : i32 to index
      %get3A_379 = tpu.vector_load %arg6[%get3A_378] {strides = array<i32>} : memref<1024xi32, #tpu.memory_space<vmem>>, vector<16xi32>,
      %get3A_380 = vector.shape_cast %get3A_379 : vector<16xi32> to vector<16xi32>
      %add3A_381 = vector.broadcast %get3A_268 : i32 to vector<16xi32>
      %add3A_382 = arith.addi %get3A_380, %add3A_381 : vector<16xi32>
      %mul3A_383 = arith.muli %add3A_382, %select_n3A_375 : vector<16xi32>
      %add3A_384 = arith.constant 1 : i32
      %add3A_385 = vector.broadcast %add3A_384 : i32 to vector<16xi32>
      %add3A_386 = arith.addi %mul3A_383, %add3A_385 : vector<16xi32>
      %mul3A_387 = arith.constant 16 : i32
      %mul3A_388 = arith.muli %scan3A_363, %mul3A_387 : i32
      %swap3A_389 = arith.index_cast %mul3A_388 : i32 to index
      %swap3A_390 = tpu.vector_load %arg6[%swap3A_389] {strides = array<i32>} : memref<1024xi32, #tpu.memory_space<vmem>>, vector<16xi32>,
      %swap3A_391 = vector.shape_cast %swap3A_390 : vector<16xi32> to vector<16xi32>
      %swap3A_392 = vector.shape_cast %add3A_386 : vector<16xi32> to vector<16xi32>
      tpu.vector_store %arg6[%swap3A_389], %swap3A_392 {strides = array<i32>} : memref<1024xi32, #tpu.memory_space<vmem>>, vector<16xi32>,
    }
    %scan3A_274 = arith.constant 64 : i32
    %dma_start3A = arith.constant 0 : i32
    %dma_start3A_275 = tpu.memref_slice %arg6[%dma_start3A] : memref<1024xi32, #tpu.memory_space<vmem>> -> memref<8xi32, #tpu.memory_space<vmem>>
    %dma_start3A_276 = arith.constant 0 : i32
    %dma_start3A_277 = arith.constant 0 : i32
    %dma_start3A_278 = tpu.memref_slice %arg3[%dma_start3A_276, %dma_start3A_277] : memref<8194x2048xf32, #tpu.memory_space<hbm>> -> memref<8194x2048xf32, #tpu.memory_space<hbm>>
    tpu.enqueue_indirect_dma source(%dma_start3A_278 : memref<8194x2048xf32, #tpu.memory_space<hbm>>) target(%arg8 : memref<8x2048xf32, #tpu.memory_space<vmem>>) offsets(%dma_start3A_275 : memref<8xi32, #tpu.memory_space<vmem>>) semaphore(%arg12 : memref<!tpu.dma_semaphore, #tpu.memory_space<semaphore_mem>>)
    %dma_start3A_279 = arith.constant 8 : i32
    %dma_start3A_280 = tpu.memref_slice %arg6[%dma_start3A_279] : memref<1024xi32, #tpu.memory_space<vmem>> -> memref<8xi32, #tpu.memory_space<vmem>>
    %dma_start3A_281 = arith.constant 0 : i32
    %dma_start3A_282 = arith.constant 0 : i32
    %dma_start3A_283 = tpu.memref_slice %arg3[%dma_start3A_281, %dma_start3A_282] : memref<8194x2048xf32, #tpu.memory_space<hbm>> -> memref<8194x2048xf32, #tpu.memory_space<hbm>>
    tpu.enqueue_indirect_dma source(%dma_start3A_283 : memref<8194x2048xf32, #tpu.memory_space<hbm>>) target(%arg9 : memref<8x2048xf32, #tpu.memory_space<vmem>>) offsets(%dma_start3A_280 : memref<8xi32, #tpu.memory_space<vmem>>) semaphore(%arg13 : memref<!tpu.dma_semaphore, #tpu.memory_space<semaphore_mem>>)
    %dma_wait3A = arith.constant 0 : i32
    %dma_wait3A_284 = arith.constant 0 : i32
    %dma_wait3A_285 = tpu.memref_slice %arg3[%dma_wait3A, %dma_wait3A_284] : memref<8194x2048xf32, #tpu.memory_space<hbm>> -> memref<8x2048xf32, #tpu.memory_space<hbm>>
    %dma_wait3A_286 = arith.constant 0 : i32
    %dma_wait3A_287 = arith.constant 0 : i32
    %dma_wait3A_288 = tpu.memref_slice %arg3[%dma_wait3A_286, %dma_wait3A_287] : memref<8194x2048xf32, #tpu.memory_space<hbm>> -> memref<8x2048xf32, #tpu.memory_space<hbm>>
    tpu.wait_dma2 semaphore(%arg12 : memref<!tpu.dma_semaphore, #tpu.memory_space<semaphore_mem>>) src(%dma_wait3A_288 : memref<8x2048xf32, #tpu.memory_space<hbm>>) dst(%arg8 : memref<8x2048xf32, #tpu.memory_space<vmem>>)
    %add3A_289 = arith.constant 0 : i32
    %add3A_290 = arith.addi %mul3A_2, %add3A_289 : i32
    %dma_start3A_291 = arith.constant 0 : i32
    %dma_start3A_292 = tpu.memref_slice %arg4[%add3A_290, %dma_start3A_291] : memref<32768x2048xf32, #tpu.memory_space<hbm>> -> memref<8x2048xf32, #tpu.memory_space<hbm>>
    %dma_start3A_293 = arith.constant 0 : i32
    %dma_start3A_294 = tpu.memref_slice %arg4[%add3A_290, %dma_start3A_293] : memref<32768x2048xf32, #tpu.memory_space<hbm>> -> memref<8x2048xf32, #tpu.memory_space<hbm>>
    tpu.enqueue_dma source(%arg8 : memref<8x2048xf32, #tpu.memory_space<vmem>>) target(%dma_start3A_294 : memref<8x2048xf32, #tpu.memory_space<hbm>>) target_semaphore(%arg16 : memref<!tpu.dma_semaphore, #tpu.memory_space<semaphore_mem>>)
    %dma_start3A_295 = arith.constant 16 : i32
    %dma_start3A_296 = tpu.memref_slice %arg6[%dma_start3A_295] : memref<1024xi32, #tpu.memory_space<vmem>> -> memref<8xi32, #tpu.memory_space<vmem>>
    %dma_start3A_297 = arith.constant 0 : i32
    %dma_start3A_298 = arith.constant 0 : i32
    %dma_start3A_299 = tpu.memref_slice %arg3[%dma_start3A_297, %dma_start3A_298] : memref<8194x2048xf32, #tpu.memory_space<hbm>> -> memref<8194x2048xf32, #tpu.memory_space<hbm>>
    tpu.enqueue_indirect_dma source(%dma_start3A_299 : memref<8194x2048xf32, #tpu.memory_space<hbm>>) target(%arg10 : memref<8x2048xf32, #tpu.memory_space<vmem>>) offsets(%dma_start3A_296 : memref<8xi32, #tpu.memory_space<vmem>>) semaphore(%arg14 : memref<!tpu.dma_semaphore, #tpu.memory_space<semaphore_mem>>)
    %dma_wait3A_300 = arith.constant 0 : i32
    %dma_wait3A_301 = arith.constant 0 : i32
    %dma_wait3A_302 = tpu.memref_slice %arg3[%dma_wait3A_300, %dma_wait3A_301] : memref<8194x2048xf32, #tpu.memory_space<hbm>> -> memref<8x2048xf32, #tpu.memory_space<hbm>>
    %dma_wait3A_303 = arith.constant 0 : i32
    %dma_wait3A_304 = arith.constant 0 : i32
    %dma_wait3A_305 = tpu.memref_slice %arg3[%dma_wait3A_303, %dma_wait3A_304] : memref<8194x2048xf32, #tpu.memory_space<hbm>> -> memref<8x2048xf32, #tpu.memory_space<hbm>>
    tpu.wait_dma2 semaphore(%arg13 : memref<!tpu.dma_semaphore, #tpu.memory_space<semaphore_mem>>) src(%dma_wait3A_305 : memref<8x2048xf32, #tpu.memory_space<hbm>>) dst(%arg9 : memref<8x2048xf32, #tpu.memory_space<vmem>>)
    %add3A_306 = arith.constant 8 : i32
    %add3A_307 = arith.addi %mul3A_2, %add3A_306 : i32
    %dma_start3A_308 = arith.constant 0 : i32
    %dma_start3A_309 = tpu.memref_slice %arg4[%add3A_307, %dma_start3A_308] : memref<32768x2048xf32, #tpu.memory_space<hbm>> -> memref<8x2048xf32, #tpu.memory_space<hbm>>
    %dma_start3A_310 = arith.constant 0 : i32
    %dma_start3A_311 = tpu.memref_slice %arg4[%add3A_307, %dma_start3A_310] : memref<32768x2048xf32, #tpu.memory_space<hbm>> -> memref<8x2048xf32, #tpu.memory_space<hbm>>
    tpu.enqueue_dma source(%arg9 : memref<8x2048xf32, #tpu.memory_space<vmem>>) target(%dma_start3A_311 : memref<8x2048xf32, #tpu.memory_space<hbm>>) target_semaphore(%arg17 : memref<!tpu.dma_semaphore, #tpu.memory_space<semaphore_mem>>)
    %dma_start3A_312 = arith.constant 24 : i32
    %dma_start3A_313 = tpu.memref_slice %arg6[%dma_start3A_312] : memref<1024xi32, #tpu.memory_space<vmem>> -> memref<8xi32, #tpu.memory_space<vmem>>
    %dma_start3A_314 = arith.constant 0 : i32
    %dma_start3A_315 = arith.constant 0 : i32
    %dma_start3A_316 = tpu.memref_slice %arg3[%dma_start3A_314, %dma_start3A_315] : memref<8194x2048xf32, #tpu.memory_space<hbm>> -> memref<8194x2048xf32, #tpu.memory_space<hbm>>
    tpu.enqueue_indirect_dma source(%dma_start3A_316 : memref<8194x2048xf32, #tpu.memory_space<hbm>>) target(%arg11 : memref<8x2048xf32, #tpu.memory_space<vmem>>) offsets(%dma_start3A_313 : memref<8xi32, #tpu.memory_space<vmem>>) semaphore(%arg15 : memref<!tpu.dma_semaphore, #tpu.memory_space<semaphore_mem>>)
    %scan3A_317 = arith.constant 0 : i32
    %scan3A_318 = arith.constant 0 : i32
    %scan3A_319 = arith.constant 31 : i32
    %scan3A_320 = arith.addi %scan3A_318, %scan3A_319 : i32
    %scan3A_321 = arith.constant 1 : i32
    scf.for %scan3A_363 = %scan3A_318 to %scan3A_320 step %scan3A_321  : i32 {
      %mul3A_364 = arith.constant 4 : i32
      %mul3A_365 = arith.muli %scan3A_363, %mul3A_364 : i32
      %add3A_366 = arith.constant 2 : i32
      %add3A_367 = arith.addi %add3A_366, %mul3A_365 : i32
      %add3A_368 = arith.constant 0 : i32
      %add3A_369 = arith.addi %add3A_367, %add3A_368 : i32
      %dma_wait3A_370 = arith.constant 0 : i32
      %dma_wait3A_371 = arith.constant 0 : i32
      %dma_wait3A_372 = tpu.memref_slice %arg3[%dma_wait3A_370, %dma_wait3A_371] : memref<8194x2048xf32, #tpu.memory_space<hbm>> -> memref<8x2048xf32, #tpu.memory_space<hbm>>
      %dma_wait3A_373 = arith.constant 0 : i32
      %dma_wait3A_374 = arith.constant 0 : i32
      %dma_wait3A_375 = tpu.memref_slice %arg3[%dma_wait3A_373, %dma_wait3A_374] : memref<8194x2048xf32, #tpu.memory_space<hbm>> -> memref<8x2048xf32, #tpu.memory_space<hbm>>
      tpu.wait_dma2 semaphore(%arg14 : memref<!tpu.dma_semaphore, #tpu.memory_space<semaphore_mem>>) src(%dma_wait3A_375 : memref<8x2048xf32, #tpu.memory_space<hbm>>) dst(%arg10 : memref<8x2048xf32, #tpu.memory_space<vmem>>)
      %mul3A_376 = arith.constant 8 : i32
      %mul3A_377 = arith.muli %add3A_369, %mul3A_376 : i32
      %add3A_378 = arith.addi %mul3A_2, %mul3A_377 : i32
      %dma_start3A_379 = arith.constant 0 : i32
      %dma_start3A_380 = tpu.memref_slice %arg4[%add3A_378, %dma_start3A_379] : memref<32768x2048xf32, #tpu.memory_space<hbm>> -> memref<8x2048xf32, #tpu.memory_space<hbm>>
      %dma_start3A_381 = arith.constant 0 : i32
      %dma_start3A_382 = tpu.memref_slice %arg4[%add3A_378, %dma_start3A_381] : memref<32768x2048xf32, #tpu.memory_space<hbm>> -> memref<8x2048xf32, #tpu.memory_space<hbm>>
      tpu.enqueue_dma source(%arg10 : memref<8x2048xf32, #tpu.memory_space<vmem>>) target(%dma_start3A_382 : memref<8x2048xf32, #tpu.memory_space<hbm>>) target_semaphore(%arg18 : memref<!tpu.dma_semaphore, #tpu.memory_space<semaphore_mem>>)
      %dma_wait3A_383 = arith.constant 0 : i32
      %dma_wait3A_384 = tpu.memref_slice %arg4[%mul3A_2, %dma_wait3A_383] : memref<32768x2048xf32, #tpu.memory_space<hbm>> -> memref<8x2048xf32, #tpu.memory_space<hbm>>
      %dma_wait3A_385 = arith.constant 0 : i32
      %dma_wait3A_386 = tpu.memref_slice %arg4[%mul3A_2, %dma_wait3A_385] : memref<32768x2048xf32, #tpu.memory_space<hbm>> -> memref<8x2048xf32, #tpu.memory_space<hbm>>
      tpu.wait_dma2 semaphore(%arg16 : memref<!tpu.dma_semaphore, #tpu.memory_space<semaphore_mem>>) src(%arg8 : memref<8x2048xf32, #tpu.memory_space<vmem>>) dst(%dma_wait3A_386 : memref<8x2048xf32, #tpu.memory_space<hbm>>)
      %add3A_387 = arith.constant 2 : i32
      %add3A_388 = arith.addi %add3A_369, %add3A_387 : i32
      %mul3A_389 = arith.constant 8 : i32
      %mul3A_390 = arith.muli %add3A_388, %mul3A_389 : i32
      %dma_start3A_391 = tpu.memref_slice %arg6[%mul3A_390] : memref<1024xi32, #tpu.memory_space<vmem>> -> memref<8xi32, #tpu.memory_space<vmem>>
      %dma_start3A_392 = arith.constant 0 : i32
      %dma_start3A_393 = arith.constant 0 : i32
      %dma_start3A_394 = tpu.memref_slice %arg3[%dma_start3A_392, %dma_start3A_393] : memref<8194x2048xf32, #tpu.memory_space<hbm>> -> memref<8194x2048xf32, #tpu.memory_space<hbm>>
      tpu.enqueue_indirect_dma source(%dma_start3A_394 : memref<8194x2048xf32, #tpu.memory_space<hbm>>) target(%arg8 : memref<8x2048xf32, #tpu.memory_space<vmem>>) offsets(%dma_start3A_391 : memref<8xi32, #tpu.memory_space<vmem>>) semaphore(%arg12 : memref<!tpu.dma_semaphore, #tpu.memory_space<semaphore_mem>>)
      %mul3A_395 = arith.constant 4 : i32
      %mul3A_396 = arith.muli %scan3A_363, %mul3A_395 : i32
      %add3A_397 = arith.constant 2 : i32
      %add3A_398 = arith.addi %add3A_397, %mul3A_396 : i32
      %add3A_399 = arith.constant 1 : i32
      %add3A_400 = arith.addi %add3A_398, %add3A_399 : i32
      %dma_wait3A_401 = arith.constant 0 : i32
      %dma_wait3A_402 = arith.constant 0 : i32
      %dma_wait3A_403 = tpu.memref_slice %arg3[%dma_wait3A_401, %dma_wait3A_402] : memref<8194x2048xf32, #tpu.memory_space<hbm>> -> memref<8x2048xf32, #tpu.memory_space<hbm>>
      %dma_wait3A_404 = arith.constant 0 : i32
      %dma_wait3A_405 = arith.constant 0 : i32
      %dma_wait3A_406 = tpu.memref_slice %arg3[%dma_wait3A_404, %dma_wait3A_405] : memref<8194x2048xf32, #tpu.memory_space<hbm>> -> memref<8x2048xf32, #tpu.memory_space<hbm>>
      tpu.wait_dma2 semaphore(%arg15 : memref<!tpu.dma_semaphore, #tpu.memory_space<semaphore_mem>>) src(%dma_wait3A_406 : memref<8x2048xf32, #tpu.memory_space<hbm>>) dst(%arg11 : memref<8x2048xf32, #tpu.memory_space<vmem>>)
      %mul3A_407 = arith.constant 8 : i32
      %mul3A_408 = arith.muli %add3A_400, %mul3A_407 : i32
      %add3A_409 = arith.addi %mul3A_2, %mul3A_408 : i32
      %dma_start3A_410 = arith.constant 0 : i32
      %dma_start3A_411 = tpu.memref_slice %arg4[%add3A_409, %dma_start3A_410] : memref<32768x2048xf32, #tpu.memory_space<hbm>> -> memref<8x2048xf32, #tpu.memory_space<hbm>>
      %dma_start3A_412 = arith.constant 0 : i32
      %dma_start3A_413 = tpu.memref_slice %arg4[%add3A_409, %dma_start3A_412] : memref<32768x2048xf32, #tpu.memory_space<hbm>> -> memref<8x2048xf32, #tpu.memory_space<hbm>>
      tpu.enqueue_dma source(%arg11 : memref<8x2048xf32, #tpu.memory_space<vmem>>) target(%dma_start3A_413 : memref<8x2048xf32, #tpu.memory_space<hbm>>) target_semaphore(%arg19 : memref<!tpu.dma_semaphore, #tpu.memory_space<semaphore_mem>>)
      %dma_wait3A_414 = arith.constant 0 : i32
      %dma_wait3A_415 = tpu.memref_slice %arg4[%mul3A_2, %dma_wait3A_414] : memref<32768x2048xf32, #tpu.memory_space<hbm>> -> memref<8x2048xf32, #tpu.memory_space<hbm>>
      %dma_wait3A_416 = arith.constant 0 : i32
      %dma_wait3A_417 = tpu.memref_slice %arg4[%mul3A_2, %dma_wait3A_416] : memref<32768x2048xf32, #tpu.memory_space<hbm>> -> memref<8x2048xf32, #tpu.memory_space<hbm>>
      tpu.wait_dma2 semaphore(%arg17 : memref<!tpu.dma_semaphore, #tpu.memory_space<semaphore_mem>>) src(%arg9 : memref<8x2048xf32, #tpu.memory_space<vmem>>) dst(%dma_wait3A_417 : memref<8x2048xf32, #tpu.memory_space<hbm>>)
      %add3A_418 = arith.constant 2 : i32
      %add3A_419 = arith.addi %add3A_400, %add3A_418 : i32
      %mul3A_420 = arith.constant 8 : i32
      %mul3A_421 = arith.muli %add3A_419, %mul3A_420 : i32
      %dma_start3A_422 = tpu.memref_slice %arg6[%mul3A_421] : memref<1024xi32, #tpu.memory_space<vmem>> -> memref<8xi32, #tpu.memory_space<vmem>>
      %dma_start3A_423 = arith.constant 0 : i32
      %dma_start3A_424 = arith.constant 0 : i32
      %dma_start3A_425 = tpu.memref_slice %arg3[%dma_start3A_423, %dma_start3A_424] : memref<8194x2048xf32, #tpu.memory_space<hbm>> -> memref<8194x2048xf32, #tpu.memory_space<hbm>>
      tpu.enqueue_indirect_dma source(%dma_start3A_425 : memref<8194x2048xf32, #tpu.memory_space<hbm>>) target(%arg9 : memref<8x2048xf32, #tpu.memory_space<vmem>>) offsets(%dma_start3A_422 : memref<8xi32, #tpu.memory_space<vmem>>) semaphore(%arg13 : memref<!tpu.dma_semaphore, #tpu.memory_space<semaphore_mem>>)
      %mul3A_426 = arith.constant 4 : i32
      %mul3A_427 = arith.muli %scan3A_363, %mul3A_426 : i32
      %add3A_428 = arith.constant 2 : i32
      %add3A_429 = arith.addi %add3A_428, %mul3A_427 : i32
      %add3A_430 = arith.constant 2 : i32
      %add3A_431 = arith.addi %add3A_429, %add3A_430 : i32
      %dma_wait3A_432 = arith.constant 0 : i32
      %dma_wait3A_433 = arith.constant 0 : i32
      %dma_wait3A_434 = tpu.memref_slice %arg3[%dma_wait3A_432, %dma_wait3A_433] : memref<8194x2048xf32, #tpu.memory_space<hbm>> -> memref<8x2048xf32, #tpu.memory_space<hbm>>
      %dma_wait3A_435 = arith.constant 0 : i32
      %dma_wait3A_436 = arith.constant 0 : i32
      %dma_wait3A_437 = tpu.memref_slice %arg3[%dma_wait3A_435, %dma_wait3A_436] : memref<8194x2048xf32, #tpu.memory_space<hbm>> -> memref<8x2048xf32, #tpu.memory_space<hbm>>
      tpu.wait_dma2 semaphore(%arg12 : memref<!tpu.dma_semaphore, #tpu.memory_space<semaphore_mem>>) src(%dma_wait3A_437 : memref<8x2048xf32, #tpu.memory_space<hbm>>) dst(%arg8 : memref<8x2048xf32, #tpu.memory_space<vmem>>)
      %mul3A_438 = arith.constant 8 : i32
      %mul3A_439 = arith.muli %add3A_431, %mul3A_438 : i32
      %add3A_440 = arith.addi %mul3A_2, %mul3A_439 : i32
      %dma_start3A_441 = arith.constant 0 : i32
      %dma_start3A_442 = tpu.memref_slice %arg4[%add3A_440, %dma_start3A_441] : memref<32768x2048xf32, #tpu.memory_space<hbm>> -> memref<8x2048xf32, #tpu.memory_space<hbm>>
      %dma_start3A_443 = arith.constant 0 : i32
      %dma_start3A_444 = tpu.memref_slice %arg4[%add3A_440, %dma_start3A_443] : memref<32768x2048xf32, #tpu.memory_space<hbm>> -> memref<8x2048xf32, #tpu.memory_space<hbm>>
      tpu.enqueue_dma source(%arg8 : memref<8x2048xf32, #tpu.memory_space<vmem>>) target(%dma_start3A_444 : memref<8x2048xf32, #tpu.memory_space<hbm>>) target_semaphore(%arg16 : memref<!tpu.dma_semaphore, #tpu.memory_space<semaphore_mem>>)
      %dma_wait3A_445 = arith.constant 0 : i32
      %dma_wait3A_446 = tpu.memref_slice %arg4[%mul3A_2, %dma_wait3A_445] : memref<32768x2048xf32, #tpu.memory_space<hbm>> -> memref<8x2048xf32, #tpu.memory_space<hbm>>
      %dma_wait3A_447 = arith.constant 0 : i32
      %dma_wait3A_448 = tpu.memref_slice %arg4[%mul3A_2, %dma_wait3A_447] : memref<32768x2048xf32, #tpu.memory_space<hbm>> -> memref<8x2048xf32, #tpu.memory_space<hbm>>
      tpu.wait_dma2 semaphore(%arg18 : memref<!tpu.dma_semaphore, #tpu.memory_space<semaphore_mem>>) src(%arg10 : memref<8x2048xf32, #tpu.memory_space<vmem>>) dst(%dma_wait3A_448 : memref<8x2048xf32, #tpu.memory_space<hbm>>)
      %add3A_449 = arith.constant 2 : i32
      %add3A_450 = arith.addi %add3A_431, %add3A_449 : i32
      %mul3A_451 = arith.constant 8 : i32
      %mul3A_452 = arith.muli %add3A_450, %mul3A_451 : i32
      %dma_start3A_453 = tpu.memref_slice %arg6[%mul3A_452] : memref<1024xi32, #tpu.memory_space<vmem>> -> memref<8xi32, #tpu.memory_space<vmem>>
      %dma_start3A_454 = arith.constant 0 : i32
      %dma_start3A_455 = arith.constant 0 : i32
      %dma_start3A_456 = tpu.memref_slice %arg3[%dma_start3A_454, %dma_start3A_455] : memref<8194x2048xf32, #tpu.memory_space<hbm>> -> memref<8194x2048xf32, #tpu.memory_space<hbm>>
      tpu.enqueue_indirect_dma source(%dma_start3A_456 : memref<8194x2048xf32, #tpu.memory_space<hbm>>) target(%arg10 : memref<8x2048xf32, #tpu.memory_space<vmem>>) offsets(%dma_start3A_453 : memref<8xi32, #tpu.memory_space<vmem>>) semaphore(%arg14 : memref<!tpu.dma_semaphore, #tpu.memory_space<semaphore_mem>>)
      %mul3A_457 = arith.constant 4 : i32
      %mul3A_458 = arith.muli %scan3A_363, %mul3A_457 : i32
      %add3A_459 = arith.constant 2 : i32
      %add3A_460 = arith.addi %add3A_459, %mul3A_458 : i32
      %add3A_461 = arith.constant 3 : i32
      %add3A_462 = arith.addi %add3A_460, %add3A_461 : i32
      %dma_wait3A_463 = arith.constant 0 : i32
      %dma_wait3A_464 = arith.constant 0 : i32
      %dma_wait3A_465 = tpu.memref_slice %arg3[%dma_wait3A_463, %dma_wait3A_464] : memref<8194x2048xf32, #tpu.memory_space<hbm>> -> memref<8x2048xf32, #tpu.memory_space<hbm>>
      %dma_wait3A_466 = arith.constant 0 : i32
      %dma_wait3A_467 = arith.constant 0 : i32
      %dma_wait3A_468 = tpu.memref_slice %arg3[%dma_wait3A_466, %dma_wait3A_467] : memref<8194x2048xf32, #tpu.memory_space<hbm>> -> memref<8x2048xf32, #tpu.memory_space<hbm>>
      tpu.wait_dma2 semaphore(%arg13 : memref<!tpu.dma_semaphore, #tpu.memory_space<semaphore_mem>>) src(%dma_wait3A_468 : memref<8x2048xf32, #tpu.memory_space<hbm>>) dst(%arg9 : memref<8x2048xf32, #tpu.memory_space<vmem>>)
      %mul3A_469 = arith.constant 8 : i32
      %mul3A_470 = arith.muli %add3A_462, %mul3A_469 : i32
      %add3A_471 = arith.addi %mul3A_2, %mul3A_470 : i32
      %dma_start3A_472 = arith.constant 0 : i32
      %dma_start3A_473 = tpu.memref_slice %arg4[%add3A_471, %dma_start3A_472] : memref<32768x2048xf32, #tpu.memory_space<hbm>> -> memref<8x2048xf32, #tpu.memory_space<hbm>>
      %dma_start3A_474 = arith.constant 0 : i32
      %dma_start3A_475 = tpu.memref_slice %arg4[%add3A_471, %dma_start3A_474] : memref<32768x2048xf32, #tpu.memory_space<hbm>> -> memref<8x2048xf32, #tpu.memory_space<hbm>>
      tpu.enqueue_dma source(%arg9 : memref<8x2048xf32, #tpu.memory_space<vmem>>) target(%dma_start3A_475 : memref<8x2048xf32, #tpu.memory_space<hbm>>) target_semaphore(%arg17 : memref<!tpu.dma_semaphore, #tpu.memory_space<semaphore_mem>>)
      %dma_wait3A_476 = arith.constant 0 : i32
      %dma_wait3A_477 = tpu.memref_slice %arg4[%mul3A_2, %dma_wait3A_476] : memref<32768x2048xf32, #tpu.memory_space<hbm>> -> memref<8x2048xf32, #tpu.memory_space<hbm>>
      %dma_wait3A_478 = arith.constant 0 : i32
      %dma_wait3A_479 = tpu.memref_slice %arg4[%mul3A_2, %dma_wait3A_478] : memref<32768x2048xf32, #tpu.memory_space<hbm>> -> memref<8x2048xf32, #tpu.memory_space<hbm>>
      tpu.wait_dma2 semaphore(%arg19 : memref<!tpu.dma_semaphore, #tpu.memory_space<semaphore_mem>>) src(%arg11 : memref<8x2048xf32, #tpu.memory_space<vmem>>) dst(%dma_wait3A_479 : memref<8x2048xf32, #tpu.memory_space<hbm>>)
      %add3A_480 = arith.constant 2 : i32
      %add3A_481 = arith.addi %add3A_462, %add3A_480 : i32
      %mul3A_482 = arith.constant 8 : i32
      %mul3A_483 = arith.muli %add3A_481, %mul3A_482 : i32
      %dma_start3A_484 = tpu.memref_slice %arg6[%mul3A_483] : memref<1024xi32, #tpu.memory_space<vmem>> -> memref<8xi32, #tpu.memory_space<vmem>>
      %dma_start3A_485 = arith.constant 0 : i32
      %dma_start3A_486 = arith.constant 0 : i32
      %dma_start3A_487 = tpu.memref_slice %arg3[%dma_start3A_485, %dma_start3A_486] : memref<8194x2048xf32, #tpu.memory_space<hbm>> -> memref<8194x2048xf32, #tpu.memory_space<hbm>>
      tpu.enqueue_indirect_dma source(%dma_start3A_487 : memref<8194x2048xf32, #tpu.memory_space<hbm>>) target(%arg11 : memref<8x2048xf32, #tpu.memory_space<vmem>>) offsets(%dma_start3A_484 : memref<8xi32, #tpu.memory_space<vmem>>) semaphore(%arg15 : memref<!tpu.dma_semaphore, #tpu.memory_space<semaphore_mem>>)
    }
    %scan3A_322 = arith.constant 31 : i32
    %dma_wait3A_323 = arith.constant 0 : i32
    %dma_wait3A_324 = arith.constant 0 : i32
    %dma_wait3A_325 = tpu.memref_slice %arg3[%dma_wait3A_323, %dma_wait3A_324] : memref<8194x2048xf32, #tpu.memory_space<hbm>> -> memref<8x2048xf32, #tpu.memory_space<hbm>>
    %dma_wait3A_326 = arith.constant 0 : i32
    %dma_wait3A_327 = arith.constant 0 : i32
    %dma_wait3A_328 = tpu.memref_slice %arg3[%dma_wait3A_326, %dma_wait3A_327] : memref<8194x2048xf32, #tpu.memory_space<hbm>> -> memref<8x2048xf32, #tpu.memory_space<hbm>>
    tpu.wait_dma2 semaphore(%arg14 : memref<!tpu.dma_semaphore, #tpu.memory_space<semaphore_mem>>) src(%dma_wait3A_328 : memref<8x2048xf32, #tpu.memory_space<hbm>>) dst(%arg10 : memref<8x2048xf32, #tpu.memory_space<vmem>>)
    %add3A_329 = arith.constant 1008 : i32
    %add3A_330 = arith.addi %mul3A_2, %add3A_329 : i32
    %dma_start3A_331 = arith.constant 0 : i32
    %dma_start3A_332 = tpu.memref_slice %arg4[%add3A_330, %dma_start3A_331] : memref<32768x2048xf32, #tpu.memory_space<hbm>> -> memref<8x2048xf32, #tpu.memory_space<hbm>>
    %dma_start3A_333 = arith.constant 0 : i32
    %dma_start3A_334 = tpu.memref_slice %arg4[%add3A_330, %dma_start3A_333] : memref<32768x2048xf32, #tpu.memory_space<hbm>> -> memref<8x2048xf32, #tpu.memory_space<hbm>>
    tpu.enqueue_dma source(%arg10 : memref<8x2048xf32, #tpu.memory_space<vmem>>) target(%dma_start3A_334 : memref<8x2048xf32, #tpu.memory_space<hbm>>) target_semaphore(%arg18 : memref<!tpu.dma_semaphore, #tpu.memory_space<semaphore_mem>>)
    %dma_wait3A_335 = arith.constant 0 : i32
    %dma_wait3A_336 = arith.constant 0 : i32
    %dma_wait3A_337 = tpu.memref_slice %arg3[%dma_wait3A_335, %dma_wait3A_336] : memref<8194x2048xf32, #tpu.memory_space<hbm>> -> memref<8x2048xf32, #tpu.memory_space<hbm>>
    %dma_wait3A_338 = arith.constant 0 : i32
    %dma_wait3A_339 = arith.constant 0 : i32
    %dma_wait3A_340 = tpu.memref_slice %arg3[%dma_wait3A_338, %dma_wait3A_339] : memref<8194x2048xf32, #tpu.memory_space<hbm>> -> memref<8x2048xf32, #tpu.memory_space<hbm>>
    tpu.wait_dma2 semaphore(%arg15 : memref<!tpu.dma_semaphore, #tpu.memory_space<semaphore_mem>>) src(%dma_wait3A_340 : memref<8x2048xf32, #tpu.memory_space<hbm>>) dst(%arg11 : memref<8x2048xf32, #tpu.memory_space<vmem>>)
    %add3A_341 = arith.constant 1016 : i32
    %add3A_342 = arith.addi %mul3A_2, %add3A_341 : i32
    %dma_start3A_343 = arith.constant 0 : i32
    %dma_start3A_344 = tpu.memref_slice %arg4[%add3A_342, %dma_start3A_343] : memref<32768x2048xf32, #tpu.memory_space<hbm>> -> memref<8x2048xf32, #tpu.memory_space<hbm>>
    %dma_start3A_345 = arith.constant 0 : i32
    %dma_start3A_346 = tpu.memref_slice %arg4[%add3A_342, %dma_start3A_345] : memref<32768x2048xf32, #tpu.memory_space<hbm>> -> memref<8x2048xf32, #tpu.memory_space<hbm>>
    tpu.enqueue_dma source(%arg11 : memref<8x2048xf32, #tpu.memory_space<vmem>>) target(%dma_start3A_346 : memref<8x2048xf32, #tpu.memory_space<hbm>>) target_semaphore(%arg19 : memref<!tpu.dma_semaphore, #tpu.memory_space<semaphore_mem>>)
    %dma_wait3A_347 = arith.constant 0 : i32
    %dma_wait3A_348 = tpu.memref_slice %arg4[%mul3A_2, %dma_wait3A_347] : memref<32768x2048xf32, #tpu.memory_space<hbm>> -> memref<8x2048xf32, #tpu.memory_space<hbm>>
    %dma_wait3A_349 = arith.constant 0 : i32
    %dma_wait3A_350 = tpu.memref_slice %arg4[%mul3A_2, %dma_wait3A_349] : memref<32768x2048xf32, #tpu.memory_space<hbm>> -> memref<8x2048xf32, #tpu.memory_space<hbm>>
    tpu.wait_dma2 semaphore(%arg16 : memref<!tpu.dma_semaphore, #tpu.memory_space<semaphore_mem>>) src(%arg8 : memref<8x2048xf32, #tpu.memory_space<vmem>>) dst(%dma_wait3A_350 : memref<8x2048xf32, #tpu.memory_space<hbm>>)
    %dma_wait3A_351 = arith.constant 0 : i32
    %dma_wait3A_352 = tpu.memref_slice %arg4[%mul3A_2, %dma_wait3A_351] : memref<32768x2048xf32, #tpu.memory_space<hbm>> -> memref<8x2048xf32, #tpu.memory_space<hbm>>
    %dma_wait3A_353 = arith.constant 0 : i32
    %dma_wait3A_354 = tpu.memref_slice %arg4[%mul3A_2, %dma_wait3A_353] : memref<32768x2048xf32, #tpu.memory_space<hbm>> -> memref<8x2048xf32, #tpu.memory_space<hbm>>
    tpu.wait_dma2 semaphore(%arg17 : memref<!tpu.dma_semaphore, #tpu.memory_space<semaphore_mem>>) src(%arg9 : memref<8x2048xf32, #tpu.memory_space<vmem>>) dst(%dma_wait3A_354 : memref<8x2048xf32, #tpu.memory_space<hbm>>)
    %dma_wait3A_355 = arith.constant 0 : i32
    %dma_wait3A_356 = tpu.memref_slice %arg4[%mul3A_2, %dma_wait3A_355] : memref<32768x2048xf32, #tpu.memory_space<hbm>> -> memref<8x2048xf32, #tpu.memory_space<hbm>>
    %dma_wait3A_357 = arith.constant 0 : i32
    %dma_wait3A_358 = tpu.memref_slice %arg4[%mul3A_2, %dma_wait3A_357] : memref<32768x2048xf32, #tpu.memory_space<hbm>> -> memref<8x2048xf32, #tpu.memory_space<hbm>>
    tpu.wait_dma2 semaphore(%arg18 : memref<!tpu.dma_semaphore, #tpu.memory_space<semaphore_mem>>) src(%arg10 : memref<8x2048xf32, #tpu.memory_space<vmem>>) dst(%dma_wait3A_358 : memref<8x2048xf32, #tpu.memory_space<hbm>>)
    %dma_wait3A_359 = arith.constant 0 : i32
    %dma_wait3A_360 = tpu.memref_slice %arg4[%mul3A_2, %dma_wait3A_359] : memref<32768x2048xf32, #tpu.memory_space<hbm>> -> memref<8x2048xf32, #tpu.memory_space<hbm>>
    %dma_wait3A_361 = arith.constant 0 : i32
    %dma_wait3A_362 = tpu.memref_slice %arg4[%mul3A_2, %dma_wait3A_361] : memref<32768x2048xf32, #tpu.memory_space<hbm>> -> memref<8x2048xf32, #tpu.memory_space<hbm>>
    tpu.wait_dma2 semaphore(%arg19 : memref<!tpu.dma_semaphore, #tpu.memory_space<semaphore_mem>>) src(%arg11 : memref<8x2048xf32, #tpu.memory_space<vmem>>) dst(%dma_wait3A_362 : memref<8x2048xf32, #tpu.memory_space<hbm>>)
    return
  }
}

</mosaic_0001>

<sc_bundles>
// kernel: kernel.3.cloned.1.call-start
scs
__scs_entry_jumppad:
0x0: {  	(pc) =	sbr.rel $0x88, $3  }
0x1: {  	(tag) =	ssettag $0x0;
	lr =	simm.s32 $0x1  }
0x2: {  	[smem:$0x3F9F] =	sst lr;
	_ =	strace $0xD0000000  }
0x3: {  	_ = 	snop  }
0x4: {  	_ = 	snop  }
0x5: {  	_ = 	snop  }
0x6: {  	_ = 	snop  }
0x7: {  	_ = 	snop  }
__scs_overlays_trampoline_lowered:
0x8: {  	[smem:$0x3FAE] =	sst s0  }
0x9: {  	[smem:$0x3FAF] =	sst s1  }
0xa: {  	[smem:$0x3FB0] =	sst s2  }
0xb: {  	[smem:$0x3FB1] =	sst s3  }
0xc: {  	[smem:$0x3FB2] =	sst s4  }
0xd: {  	[smem:$0x3FB3] =	sst s5  }
0xe: {  	[smem:$0x3FB4] =	sst s6  }
0xf: {  	[smem:$0x3FB5] =	sst s7  }
0x10: {  	[smem:$0x3FB6] =	sst s8  }
0x11: {  	[smem:$0x3FB7] =	sst s9;
	s0 =	simm.s32 @!p0 $0x0  }
0x12: {  	s1 =	sld [smem:$0x3F9D];
	s0 =	simm.s32 @p0 $0x1  }
0x13: {  	[smem:$0x3FB8] =	sst s0;
	s0 =	simm.s32 @!p1 $0x0  }
0x14: {  	s2 =	sld [smem:$0x3F9C];
	s0 =	simm.s32 @p1 $0x1  }
0x15: {  	[smem:$0x3FB9] =	sst s0;
	s0 =	simm.s32 @!p2 $0x0  }
0x16: {  	s3 =	sld [smem:$0x3FDB];
	s0 =	simm.s32 @p2 $0x1  }
0x17: {  	s4 =	simm.s32 $0x1BF5;
	[smem:$0x3FBB] =	sst s0  }
0x18: {  	s0 =	sld [smem:$0x3F9E];
	_ =	swait.ge [sflag:s4], $0x0  }
0x19: {  	s7 =	sld [smem:$0x3F9F]  }
0x1a: {  	s8 =	sadd.s32 $0xFFFFE003, lr  }
0x1b: {  	s9 =	sadd.s32 $0xFFFFFEF7, lr;
	s5 =	simm.s32 $0xFFFFFFFF;
	p2 =	slt.u32 s8, $0xFFFFF086  }
0x1c: {  	p1 =	slt.u32 s9, $0xF7A;
	s5 =	simm.s32 @!p2 $0x0  }
0x1d: {  	s5 =	simm.s32 @p1 $0x1;
	p0 =	seq.s32 s7, s2  }
0x1e: {  	s7 =	smul.u32 @!p0 $0xF7A, s2;
	p2 =	seq.s32 @!p0 s5, $0x0  }
0x1f: {  	s9 =	smul.u32 $0xF7A, s1;
	s8 =	simm.s32 @!p0 $0x1BF5;
	p2 =	por !p2, p0  }
0x20: {  	[sflag:s8] =	ssyncset.s32 @!p0 $0xFFFFF086;
	s6 =	sadd.s32 @!p0 s3, s7;
	s7 =	simm.s32 @!p0 $0x108  }
0x21: {  	s3 =	sadd.s32 s3, s9;
	s6 =	sadd.s32 @!p0 $0x88, s6;
	s7 =	simm.s32 @p2 $0x1082  }
0x22: {  	[simem:s7], [sflag:s8] =	dma.local @!p0 [hbm:s6], $0xF7A  }
0x23: {  	s9 =	sor.u32 $0xD0000000, s2;
	s6 =	simm.s32 $0x108;
	_ =	swait.ge @!p0 [sflag:s8], $0x0  }
0x24: {  	s3 =	sadd.s32 $0x88, s3;
	s6 =	simm.s32 @!p1 $0x1082;
	[sflag:s4] =	ssyncset.s32 $0xFFFFF086  }
0x25: {  	[simem:s6], [sflag:s4] =	dma.local [hbm:s3], $0xF7A  }
0x26: {  	[smem:$0x3F9F] =	sst s1;
	(tag) =	ssettag s2;
	_ =	strace s9  }
0x27: {  	s1 =	sld [smem:$0x3FAF]  }
0x28: {  	s2 =	sld [smem:$0x3FB0]  }
0x29: {  	s4 =	sld [smem:$0x3FB2]  }
0x2a: {  	p0 =	seq.s32 s5, $0x0;
	s5 =	sld [smem:$0x3FB3]  }
0x2b: {  	s6 =	sld [smem:$0x3FB4]  }
0x2c: {  	s7 =	sld [smem:$0x3FB5]  }
0x2d: {  	s3 =	simm.s32 $0x108;
	s8 =	sld [smem:$0x3FB6]  }
0x2e: {  	s3 =	simm.s32 @!p0 $0x1082;
	s9 =	sld [smem:$0x3FB7]  }
0x2f: {  	lr =	sadd.s32 s0, s3;
	s0 =	sld [smem:$0x3FAE]  }
0x30: {  	s3 =	sld [smem:$0x3FB1]  }
0x31: {  	[smem:$0x3FBA] =	sst s10  }
0x32: {  	s10 =	sld [smem:$0x3FB8];
	_ =	sdelay $0x3  }
0x33: {  	p0 =	seq.s32 s10, $0x1;
	s10 =	sld [smem:$0x3FBA];
	_ =	sdelay $0x3  }
0x34: {  	[smem:$0x3FBA] =	sst s10  }
0x35: {  	s10 =	sld [smem:$0x3FB9];
	_ =	sdelay $0x3  }
0x36: {  	p1 =	seq.s32 s10, $0x1;
	s10 =	sld [smem:$0x3FBA];
	_ =	sdelay $0x3  }
0x37: {  	[smem:$0x3FBA] =	sst s10  }
0x38: {  	s10 =	sld [smem:$0x3FBB]  }
0x39: {  	_ = 	snop;
	(pc) =	sbr.ind lr, $3  }
0x3a: {  	_ = 	snop  }
0x3b: {  	_ = 	snop  }
0x3c: {  	p2 =	seq.s32 s10, $0x1;
	s10 =	sld [smem:$0x3FBA]  }
0x3d: {  	_ =	shalt  }
0x3e: {  	_ =	shalt  }
0x3f: {  	_ =	shalt  }
0x40: {  	_ =	shalt  }
0x41: {  	_ =	shalt  }
0x42: {  	_ =	shalt  }
0x43: {  	_ =	shalt  }
0x44: {  	_ =	shalt  }
0x45: {  	_ =	shalt  }
0x46: {  	_ =	shalt  }
0x47: {  	_ =	shalt  }
0x48: {  	_ =	shalt  }
0x49: {  	_ =	shalt  }
0x4a: {  	_ =	shalt  }
0x4b: {  	_ =	shalt  }
0x4c: {  	_ =	shalt  }
0x4d: {  	_ =	shalt  }
0x4e: {  	_ =	shalt  }
0x4f: {  	_ =	shalt  }
0x50: {  	_ =	shalt  }
0x51: {  	_ =	shalt  }
0x52: {  	_ =	shalt  }
0x53: {  	_ =	shalt  }
0x54: {  	_ =	shalt  }
0x55: {  	_ =	shalt  }
0x56: {  	_ =	shalt  }
0x57: {  	_ =	shalt  }
0x58: {  	_ =	shalt  }
0x59: {  	_ =	shalt  }
0x5a: {  	_ =	shalt  }
0x5b: {  	_ =	shalt  }
0x5c: {  	_ =	shalt  }
0x5d: {  	_ =	shalt  }
0x5e: {  	_ =	shalt  }
0x5f: {  	_ =	shalt  }
0x60: {  	_ =	shalt  }
0x61: {  	_ =	shalt  }
0x62: {  	_ =	shalt  }
0x63: {  	_ =	shalt  }
0x64: {  	_ =	shalt  }
0x65: {  	_ =	shalt  }
0x66: {  	_ =	shalt  }
0x67: {  	_ =	shalt  }
0x68: {  	_ =	shalt  }
0x69: {  	_ =	shalt  }
0x6a: {  	_ =	shalt  }
0x6b: {  	_ =	shalt  }
0x6c: {  	_ =	shalt  }
0x6d: {  	_ =	shalt  }
0x6e: {  	_ =	shalt  }
0x6f: {  	_ =	shalt  }
0x70: {  	_ =	shalt  }
0x71: {  	_ =	shalt  }
0x72: {  	_ =	shalt  }
0x73: {  	_ =	shalt  }
0x74: {  	_ =	shalt  }
0x75: {  	_ =	shalt  }
0x76: {  	_ =	shalt  }
0x77: {  	_ =	shalt  }
0x78: {  	_ =	shalt  }
0x79: {  	_ =	shalt  }
0x7a: {  	_ =	shalt  }
0x7b: {  	_ =	shalt  }
0x7c: {  	_ =	shalt  }
0x7d: {  	_ =	shalt  }
0x7e: {  	_ =	shalt  }
0x7f: {  	_ =	shalt  }
0x80: {  	_ =	shalt  }
0x81: {  	_ =	shalt  }
0x82: {  	_ =	shalt  }
0x83: {  	_ =	shalt  }
0x84: {  	_ =	shalt  }
0x85: {  	_ =	shalt  }
0x86: {  	_ =	shalt  }
0x87: {  	_ =	shalt  }
.Lfunc_end0:
.L_simem_size_0:
called_computation_lowered:
.L_overlay_start_0:
0x88: {  	s2 =	sld [smem:$0x3FD9]  }
0x89: {  	s3 =	sld [smem:$0x3FFE];
	_ =	sdelay $0x1  }
0x8a: {  	s1 =	srdreg.scid  }
0x8b: {  	s0 =	sand.u32 $0x1, s1  }
0x8c: {  	s17 =	sshll.u32 s0, $0xA;
	s2 =	sadd.s32 s3, s2  }
0x8d: {  	s2 =	sadd.s32 s2, s17  }
0x8e: {  	[smem:$0x3FC6] =	sst s2  }
0x8f: {  	_ = 	snop  }
0x90: {  	s2 =	sld [smem:$0x3FC8]  }
0x91: {  	s18 =	sld [smem:$0x3FD0];
	(tm) =	ssettm $0x1  }
0x92: {  	s4 =	sld [smem:$0x3FFB];
	_ =	sdelay $0x3  }
0x93: {  	_ =	strace s4  }
0x94: {  	s4 =	sld [smem:$0x3FFC];
	_ =	sdelay $0x3  }
0x95: {  	_ =	strace s4  }
0x96: {  	s4 =	sld [smem:$0x3FFD];
	_ =	sdelay $0x3  }
0x97: {  	_ =	strace s4  }
0x98: {  	_ =	strace $0x8FFFFFFF  }
0x99: {  	s19 =	sld [smem:$0x3FDB];
	_ =	sdelay $0x1  }
0x9a: {  	s5 =	simm.s32 $_scs_section_size  }
0x9b: {  	s6 =	simm.s32 $_size__tile_overlayer_lowered;
	s7 =	simm.s32 $_tile_overlayer_lowered  }
0x9c: {  	s22 =	simm.s32 $0x1BFF;
	s21 =	sshll.u32 s7, $0x1;
	s4 =	sadd.s32 s5, s19  }
0x9d: {  	s8 =	simm.s32 $0x0;
	s20 =	sshll.u32 s6, $0x1;
	s6 =	sadd.s32 s21, s4  }
0x9e: {  	[timem:s8], [sflag:s22] =	dma.local [hbm:s6], s20  }
0x9f: {  	_ =	swait.ge [sflag:s22], s20  }
0xa0: {  	s5 =	ssub.s32 $0x0, s20;
	[sflag:s22] =	ssyncset.done $0x0  }
0xa1: {  	[sflag:s22] =	ssyncadd.s32 s5;
	_ =	sdelay $0x1  }
0xa2: {  	s23 =	simm.s32 $0x1B8B  }
0xa3: {  	_ =	swait.ge [sflag:s23], $0x1  }
0xa4: {  	[sflag:s23] =	ssyncset.done $0x0  }
0xa5: {  	s25 =	simm.s32 $0x1B8E;
	s24 =	sld [smem:$0x3FFE];
	[sflag:s23] =	ssyncadd.s32 $0xFFFFFFFF  }
0xa6: {  	s26 =	simm.s32 $execute0_lowered;
	[smem:$0x3FD2] =	sst s25  }
0xa7: {  	s6 =	sshll.u32 s26, $0x1;
	_ =	strace $0x80000046;
	[dreg:$0x1] =	wrdreg $0xFFFFFFFF  }
0xa8: {  	s28 =	simm.s32 $_size_execute0_lowered;
	s4 =	sadd.s32 s4, s6;
	[dreg:$0x0] =	wrdreg $0x0  }
0xa9: {  	s6 =	sshll.u32 s28, $0x1;
	[dreg:$0x2] =	wrdreg s4  }
0xaa: {  	[dreg:$0x3] =	wrdreg s6  }
0xab: {  	[dreg:$0x4] =	wrdreg $0xC0  }
0xac: {  	_ =	task [dreg:s8], $0x5FFFF  }
0xad: {  	[dreg:$0x1] =	wrdreg $0xFFFFFFFF  }
0xae: {  	[dreg:$0x0] =	wrdreg $0x60  }
0xaf: {  	[dreg:$0x2] =	wrdreg s24  }
0xb0: {  	[dreg:$0x3] =	wrdreg s2  }
0xb1: {  	[dreg:$0x4] =	wrdreg s18  }
0xb2: {  	[dreg:$0x5] =	wrdreg $0x9  }
0xb3: {  	_ =	task.clear_ibuf [dreg:s8], $0x6FFFF;
	_ =	strace $0x90000046  }
0xb4: {  	s29 =	simm.s32 $0x9;
	_ =	strace $0x80000048  }
0xb5: {  	_ =	swait.ge [sflag:s29], $0x1  }
0xb6: {  	[sflag:s29] =	ssyncadd.s32 $0xFFFFFFFF  }
0xb7: {  	_ =	strace $0x90000048  }
0xb8: {  	_ =	sfence  }
0xb9: {  	s30 =	sld [smem:$0x0];
	_ =	sdelay $0x2  }
0xba: {  	s31 =	sshll.u32 s1, $0xD;
	s1 =	sshrl.u32 s1, $0x2  }
0xbb: {  	s3 =	sand.u32 $0x4000, s31;
	s1 =	sadd.s32 s1, s30  }
0xbc: {  	s0 =	sor.u32 s3, s0;
	s1 =	sshll.u32 s1, $0x11  }
0xbd: {  	s0 =	sor.u32 s1, s0  }
0xbe: {  	s0 =	sadd.s32 $0x8F2B, s0  }
0xbf: {  	[sflag:s0] =	ssyncadd.remote.s32 $0x1  }
0xc0: {  	_ =	sfence.sel $0xFFFF  }
0xc1: {  	[dreg:$0x0] =	wrdreg $0xFFFFFFFF;
	(pc) =	sbr.abs _section_cstart, $3  }
0xc2: {  	[dreg:$0x1] =	wrdreg $0xFFFFFFFF  }
0xc3: {  	_ =	task.clear_ibuf [dreg:s8], $0x2FFFF;
	_ =	strace $0x9FFFFFFF  }
0xc4: {  	(tm) =	ssettm $0x7FFFFFFF  }
0xc5: {  	_ =	shalt  }
tec
execute0_lowered:
.L_overlay_start_1:
0x0: {  	(tag) =	ssettag $0x1  }
0x1: {  	s0 =	rddreg [dreg:$0x0]  }
0x2: {  	s14 =	stileid.u32;
	s1 =	rddreg [dreg:$0x1]  }
0x3: {  	s24 =	srdreg.scid;
	s26 =	rddreg [dreg:$0x2];
	s28 =	simm.s32 $0xC000  }
0x4: {  	s31 =	simm.s32 $0xC800;
	s29 =	simm.s32 $0xD000;
	s30 =	simm.s32 $0xD800  }
0x5: {  	s2 =	sand.u32 $0x8, s14;
	p1 =	slt.u32 s14, $0x3;
	p4 =	slt.u32 s14, $0x5  }
0x6: {  	p5 =	slt.u32 s14, $0x6;
	s25 =	sshrl.u32 s14, $0x3;
	p6 =	slt.u32 s14, $0x7  }
0x7: {  	p2 =	slt.u32 s14, $0x9;
	p3 =	slt.u32 s14, $0xA;
	s6 =	sshll.u32 s14, $0xA  }
0x8: {  	s8 =	sadd.s32 $0x400, s1;
	s9 =	sadd.s32 $0x500, s1;
	s10 =	sadd.s32 $0x600, s1  }
0x9: {  	s11 =	sadd.s32 $0x700, s1;
	p0 =	seq.s32 s2, $0x0;
	s2 =	sand.u32 $0x1, s24  }
0xa: {  	s22 =	sshll.u32 s14, $0x12;
	p1 =	por !p1, !p0;
	s5 =	sshll.u32 s2, $0xE  }
0xb: {  	s13 =	ssub.s32 $0x2, s2;
	s2 =	sshll.u32 s2, $0x16;
	s3 =	simm.s32 @!p1 $0x0  }
0xc: {  	s12 =	sor.u32 s6, s5;
	s3 =	simm.s32 @p1 $0x1;
	p1 =	por !p4, !p0  }
0xd: {  	s7 =	sshrl.u32 s13, $0x1;
	[smem:$0x7F1] =	sst s3;
	s3 =	simm.s32 @!p1 $0x0  }
0xe: {  	s5 =	sadd.s32 $0x100, s1;
	s3 =	simm.s32 @p1 $0x1;
	p1 =	por !p5, !p0  }
0xf: {  	s21 =	sadd.s32 s2, s26;
	s2 =	simm.s32 $0x800;
	s4 =	simm.s32 @!p1 $0x0  }
0x10: {  	p0 =	por !p6, !p0;
	[smem:$0x7F3] =	sst s3;
	s4 =	simm.s32 @p1 $0x1  }
0x11: {  	s3 =	sand.u32 $0x1, s25;
	[smem:$0x7F5] =	sst s4;
	s4 =	simm.s32 @!p0 $0x0  }
0x12: {  	p4 =	slt.u32 s14, $0xC;
	s4 =	simm.s32 @p0 $0x1;
	p0 =	seq.s32 s3, $0x1  }
0x13: {  	s6 =	sshrl.u32 s12, $0x3;
	s13 =	ssub.s32 s13, s7;
	p1 =	por !p2, !p0  }
0x14: {  	s7 =	sadd.s32 $0x300, s1;
	s20 =	sshll.u32 s12, $0x8;
	s3 =	simm.s32 @!p1 $0x0  }
0x15: {  	s0 =	sadd.s32 s6, s0;
	[smem:$0x7F7] =	sst s4;
	s3 =	simm.s32 @p1 $0x1  }
0x16: {  	s6 =	sadd.s32 $0x200, s1;
	[smem:$0x7F9] =	sst s3;
	s3 =	simm.s32 $0x0  }
0x17: {  	s12 =	sadd.s32 s26, s20;
	s26 =	smax.u32 s13, $0x1;
	[smem:$0x7FF] =	sst s3  }
0x18: {  	s0 =	sadd.s32 $0x400, s0;
	p2 =	slt.u32 s14, $0xB;
	_ =	strace $0x80000047  }
0x19: {  	p5 =	por !p3, !p0;
	p3 =	por !p4, !p0;
	s15 =	sld [smem:$0x7F1]  }
0x1a: {  	p4 =	slt.u32 s14, $0xE;
	p6 =	por !p2, !p0;
	p2 =	slt.u32 s14, $0xD  }
0x1b: {  	p1 =	por !p2, !p0;
	p2 =	por !p4, !p0;
	p4 =	sne.s32 s14, $0xF  }
0x1c: {  	p0 =	por !p4, !p0;
	s16 =	sld [smem:$0x7F3];
	p4 =	seq.s32 s15, $0x1  }
0x1d: {  	s23 =	sadd.s32 $0x800, s12;
	[dreg:$0x5] =	wrdreg s0;
	p4 =	por !p4, !p4  }
0x1e: {  	s24 =	sadd.s32 $0x3F000, s12;
	[dreg:$0x7] =	wrdreg s23;
	s0 =	simm.s32 @!p4 $0x0  }
0x1f: {  	s17 =	sld [smem:$0x7F5];
	s0 =	simm.s32 @p4 $0x1;
	p4 =	seq.s32 s16, $0x1  }
0x20: {  	s13 =	simm.s32 $0xE800;
	[dreg:$0x8] =	wrdreg s24;
	p4 =	por !p4, !p4  }
0x21: {  	s25 =	sadd.s32 $0x3F800, s12;
	[smem:$0x7F2] =	sst s0;
	s0 =	simm.s32 @!p4 $0x0  }
0x22: {  	s18 =	sld [smem:$0x7F7];
	s0 =	simm.s32 @p4 $0x1;
	p4 =	seq.s32 s17, $0x1  }
0x23: {  	s4 =	simm.s32 $0xE000;
	[dreg:$0x6] =	wrdreg s12;
	p4 =	por !p4, !p4  }
0x24: {  	p3 =	por !p3, !p3;
	[smem:$0x7F4] =	sst s0;
	s0 =	simm.s32 @!p4 $0x0  }
0x25: {  	s19 =	sld [smem:$0x7F9];
	s0 =	simm.s32 @p4 $0x1;
	p4 =	seq.s32 s18, $0x1  }
0x26: {  	v0 =	vimm.s32 $0xEDCBA987;
	v1 =	vimm.s32 $0x65432100;
	v3 =	vimm.s32 $0xDCBA9876;
	p1 =	por !p1, !p1;
	[dreg:$0x9] =	wrdreg s25;
	p4 =	por !p4, !p4  }
0x27: {  	v4 =	vimm.s32 $0x54321000;
	v5 =	vimm.s32 $0xBA987654;
	v6 =	vimm.s32 $0xE40000;
	p2 =	por !p2, !p2;
	[smem:$0x7F6] =	sst s0;
	s0 =	simm.s32 @!p4 $0x0  }
0x28: {  	v7 =	vimm.s32 $0x32100000;
	vm0 =	vmmov $0x3;
	vm1 =	vmmov $0xf;
	[dreg:$0xa] =	wrdreg s26;
	s0 =	simm.s32 @p4 $0x1;
	p4 =	seq.s32 s19, $0x1  }
0x29: {  	vm2 =	vcmask $0x3F30;
	vm3 =	vmmov $0xffff;
	v0 =	vunpack.c.l.s4.s8 v0;
	s23 =	simm.s32 $0x800;
	s24 =	simm.s32 $0x5;
	p4 =	por !p4, !p4  }
0x2a: {  	v1 =	vunpack.c.l.s4.s8 v1;
	v3 =	vunpack.c.l.s4.s8 v3;
	v5 =	vunpack.c.l.s4.s8 v5;
	s26 =	simm.s32 $0xF000;
	[smem:$0x7F8] =	sst s0;
	s0 =	simm.s32 @!p4 $0x0  }
0x2b: {  	v4 =	vunpack.c.l.s4.s8 v4;
	v6 =	vunpack.c.l.s2.s4 v6;
	v7 =	vunpack.c.l.s4.s8 v7;
	s25 =	simm.s32 $0x8;
	s0 =	simm.s32 @p4 $0x1;
	p4 =	por !p5, !p5  }
0x2c: {  	v2 =	vunpack.c.0.s8.s32 v0;
	v3 =	vunpack.c.0.s8.s32 v3;
	v5 =	vunpack.c.0.s8.s32 v5;
	s17 =	simm.s32 $0x1;
	[smem:$0x7FA] =	sst s0;
	s0 =	simm.s32 @!p4 $0x0  }
0x2d: {  	v1 =	vunpack.c.0.s8.s32 v1;
	v4 =	vunpack.c.0.s8.s32 v4;
	v6 =	vunpack.c.l.s4.s8 v6;
	s18 =	simm.s32 $0xF000;
	s0 =	simm.s32 @p4 $0x1;
	p4 =	por !p6, !p6  }
0x2e: {  	v2 =	vand.u32 $0xF, v2;
	v3 =	vand.u32 $0xF, v3;
	v5 =	vand.u32 $0xF, v5;
	s19 =	simm.s32 $0xF800;
	[smem:$0x7FB] =	sst s0;
	s0 =	simm.s32 @!p4 $0x0  }
0x2f: {  	v6 =	vunpack.c.0.s8.s32 v6;
	v3 =	vcombine.low v4, v3;
	v4 =	vunpack.c.0.s8.s32 v7;
	p5 =	slt.u32 s14, $0x2;
	p6 =	seq.s32 s14, $0x0;
	s0 =	simm.s32 @p4 $0x1  }
0x30: {  	v1 =	vcombine.low v1, v2;
	v2 =	vlaneseq.u32;
	v7 =	vimm.s32 $0x7060504;
	p4 =	slt.u32 s14, $0x4;
	[smem:$0x7FC] =	sst s0;
	s0 =	simm.s32 @!p3 $0x0  }
0x31: {  	v4 =	vcombine.low v4, v5;
	v5 =	vunpack.c.0.s8.s32 v7;
	v7 =	vshrl.u32 v2, $0x3;
	s14 =	simm.s32 $0x1;
	s0 =	simm.s32 @p3 $0x1;
	p3 =	por !p0, !p0  }
0x32: {  	v0 =	vimm.s32 $0x0;
	v6 =	vand.u32 $0x3, v6;
	v7 =	vmul.u32 $0x8, v7;
	[smem:$0x7FD] =	sst s0;
	s0 =	sadd.s32 s22, s21;
	s21 =	simm.s32 $0xF800  }
0x33: {  	v5 =	vsel vm2, v5, v6;
	vm2 =	vmmov $0xff;
	v6 =	vand.u32 $0x7, v2;
	s22 =	simm.s32 $0x7;
	[dreg:$0x4] =	wrdreg s0;
	s0 =	simm.s32 $0x0  }
.LBB2_1:
0x34: {  	[smem:$0x0] =	sst s3  }
0x35: {  	s12 =	rddreg [dreg:$0x5];
	s20 =	simm.s32 $0x19  }
0x36: {  	[tilespmem:s3], [sflag:$0x19] =	stream.linear.gather [hbm4b:s12+s3], $0x400, $0x38;
	[tilespmem:$0x10800] =	vst v63  }
0x37: {  	_ =	swait.ge [sflag:s20], $0x400  }
0x38: {  	[sflag:s20] =	ssyncset.done $0x0  }
0x39: {  	s16 =	simm.s32 $0x0;
	[sflag:s20] =	ssyncadd.s32 $0xFFFFFC00  }
0x3a: {  	v8 =	vld [tilespmem:s16+$0x0];
	_ =	sdelay $0x4  }
0x3b: {  	vm4 =	vne.s32 v8, $0x1  }
0x3c: {  	v8 =	vsel vm4, $0x1, v0  }
0x3d: {  	s15 =	simm.s32 $0x10;
	v9 =	vperm.xlane v8, v1  }
0x3e: {  	v10 =	vld [tilespmem:s15+$0x0];
	vm4 =	veq.s32 v2, $0x0  }
0x3f: {  	v9 =	vsel vm4, $0x0, v9  }
0x40: {  	v8 =	vadd.s32 v8, v9  }
0x41: {  	v9 =	vperm.xlane v8, v3;
	_ =	sdelay $0x1  }
0x42: {  	vm5 =	vne.s32 v10, $0x1;
	v9 =	vsel vm0, $0x0, v9  }
0x43: {  	v10 =	vsel vm5, $0x1, v0;
	v8 =	vadd.s32 v9, v8  }
0x44: {  	v9 =	vperm.xlane v10, v1;
	v11 =	vperm.xlane v8, v4;
	_ =	sdelay $0x1  }
0x45: {  	v9 =	vsel vm4, $0x0, v9;
	v11 =	vsel vm1, $0x0, v11  }
0x46: {  	v9 =	vadd.s32 v10, v9;
	v10 =	vadd.s32 v11, v8  }
0x47: {  	v8 =	vperm.xlane v9, v3;
	v11 =	vperm.xlane v10, v5;
	_ =	sdelay $0x1  }
0x48: {  	v8 =	vsel vm0, $0x0, v8;
	v11 =	vsel vm2, $0x0, v11  }
0x49: {  	v8 =	vadd.s32 v8, v9;
	v9 =	vadd.s32 s3, v11  }
0x4a: {  	v9 =	vadd.s32 v10, v9  }
0x4b: {  	(v2sf) =	vpush v9, $0xF;
	_ =	sdelay $0x8  }
0x4c: {  	v11 =	vperm.xlane v8, v4;
	_ =	sdelay $0x1  }
0x4d: {  	s20 =	simm.s32 $0xC0;
	[tilespmem:s16+$0x400] =	vst v9;
	s16 =	simm.s32 $0x20;
	v9 =	vsel vm1, $0x0, v11  }
.LBB2_2:
0x4e: {  	p0 =	sne.s32 s20, $0xFC0;
	v10 =	vld [tilespmem:s16+$0x0];
	v8 =	vadd.s32 v9, v8  }
0x4f: {  	v9 =	vperm.xlane v8, v5;
	_ =	sdelay $0x1  }
0x50: {  	v9 =	vsel vm2, $0x0, v9;
	s12 =	spop (v2sf)  }
0x51: {  	v9 =	vadd.s32 s12, v9  }
0x52: {  	vm5 =	vne.s32 v10, $0x1;
	v8 =	vadd.s32 v8, v9  }
0x53: {  	v9 =	vsel vm5, $0x1, v0;
	[tilespmem:s15+$0x400] =	vst v8;
	(v2sf) =	vpush v8, $0xF;
	s15 =	smov.u32 s16  }
0x54: {  	v8 =	vperm.xlane v9, v1;
	_ =	sdelay $0x1  }
0x55: {  	v8 =	vsel vm4, $0x0, v8  }
0x56: {  	v8 =	vadd.s32 v9, v8  }
0x57: {  	v9 =	vperm.xlane v8, v3;
	_ =	sdelay $0x1  }
.Ltmp0:
0x58: {  	v9 =	vsel vm0, $0x0, v9;
	(pc) =	sbr.rel @p0 .LBB2_2-.Ltmp0, $3  }
0x59: {  	v8 =	vadd.s32 v9, v8  }
0x5a: {  	v9 =	vperm.xlane v8, v4;
	_ =	sdelay $0x1  }
0x5b: {  	s16 =	sshra.s32 s20, $0x2;
	s20 =	sadd.s32 $0x40, s20;
	v9 =	vsel vm1, $0x0, v9  }
0x5c: {  	v10 =	vld [tilespmem:s16+$0x0];
	v8 =	vadd.s32 v9, v8  }
0x5d: {  	v9 =	vperm.xlane v8, v5;
	_ =	sdelay $0x1  }
0x5e: {  	v9 =	vsel vm2, $0x0, v9;
	s12 =	spop (v2sf)  }
0x5f: {  	v9 =	vadd.s32 s12, v9  }
0x60: {  	vm4 =	vne.s32 v10, $0x1;
	v8 =	vadd.s32 v8, v9  }
0x61: {  	v9 =	vsel vm4, $0x1, v0;
	(v2sf) =	vpush v8, $0xF  }
0x62: {  	v10 =	vperm.xlane v9, v1  }
0x63: {  	vm4 =	veq.s32 v2, $0x0  }
0x64: {  	v10 =	vsel vm4, $0x0, v10  }
0x65: {  	v9 =	vadd.s32 v9, v10  }
0x66: {  	v10 =	vperm.xlane v9, v3;
	_ =	sdelay $0x1  }
0x67: {  	v10 =	vsel vm0, $0x0, v10  }
0x68: {  	v9 =	vadd.s32 v10, v9  }
0x69: {  	v10 =	vperm.xlane v9, v4;
	_ =	sdelay $0x1  }
0x6a: {  	v10 =	vsel vm1, $0x0, v10  }
0x6b: {  	v9 =	vadd.s32 v10, v9  }
0x6c: {  	v10 =	vperm.xlane v9, v5;
	_ =	sdelay $0x1  }
0x6d: {  	v10 =	vsel vm2, $0x0, v10;
	s20 =	spop (v2sf)  }
0x6e: {  	v10 =	vadd.s32 s20, v10  }
0x6f: {  	v9 =	vadd.s32 v9, v10  }
0x70: {  	(v2sf) =	vpush v9, $0xF;
	_ =	sdelay $0xd  }
0x71: {  	[tilespmem:s15+$0x400] =	vst v8  }
0x72: {  	[dreg:$0xb] =	wrdreg s0;
	[tilespmem:s16+$0x400] =	vst v9;
	s20 =	spop (v2sf)  }
0x73: {  	s0 =	simm.s32 $0x9;
	[bflag:$0x0] =	sbarrier.arrive $0xFFFF  }
0x74: {  	s16 =	simm.s32 $0x0;
	[sflag:s0] =	ssyncset.done $0x0  }
0x75: {  	[smem:s16], [sflag:$0x9] =	smem.add.s32 $0x0  }
0x76: {  	_ =	swait.done [sflag:s0]  }
0x77: {  	[sflag:s0] =	ssyncset.s32 $0x0  }
0x78: {  	s15 =	simm.s32 $0xA;
	s12 =	smov.u32 s20;
	[sflag:s0] =	ssyncset.done $0x0  }
0x79: {  	s12 =	simm.s32 @!p6 $0x0;
	s0 =	simm.s32 $0x10000;
	[sflag:s15] =	ssyncset.done $0x0  }
0x7a: {  	[smem:s0], [sflag:$0xA] =	smem.add.s32 s12  }
0x7b: {  	_ =	swait.done [sflag:s15]  }
0x7c: {  	[sflag:s15] =	ssyncset.s32 $0x0  }
0x7d: {  	s12 =	smov.u32 s20;
	[sflag:s15] =	ssyncset.done $0x0;
	s15 =	simm.s32 $0xB  }
0x7e: {  	s0 =	simm.s32 $0x20000;
	s12 =	simm.s32 @!p5 $0x0;
	[sflag:s15] =	ssyncset.done $0x0  }
0x7f: {  	[smem:s0], [sflag:$0xB] =	smem.add.s32 s12  }
0x80: {  	_ =	swait.done [sflag:s15]  }
0x81: {  	s16 =	sld [smem:$0x7F2];
	_ =	sdelay $0x1  }
0x82: {  	s12 =	smov.u32 s20;
	[sflag:s15] =	ssyncset.s32 $0x0  }
0x83: {  	[sflag:s15] =	ssyncset.done $0x0;
	s15 =	simm.s32 $0xC;
	p0 =	seq.s32 s16, $0x1  }
0x84: {  	s0 =	simm.s32 $0x30000;
	[sflag:s15] =	ssyncset.done $0x0;
	s12 =	simm.s32 @!p0 $0x0  }
0x85: {  	[smem:s0], [sflag:$0xC] =	smem.add.s32 s12  }
0x86: {  	_ =	swait.done [sflag:s15]  }
0x87: {  	[sflag:s15] =	ssyncset.s32 $0x0  }
0x88: {  	s12 =	smov.u32 s20;
	[sflag:s15] =	ssyncset.done $0x0;
	s15 =	simm.s32 $0xD  }
0x89: {  	s0 =	simm.s32 $0x40000;
	s12 =	simm.s32 @!p4 $0x0;
	[sflag:s15] =	ssyncset.done $0x0  }
0x8a: {  	[smem:s0], [sflag:$0xD] =	smem.add.s32 s12  }
0x8b: {  	_ =	swait.done [sflag:s15]  }
0x8c: {  	s16 =	sld [smem:$0x7F4];
	_ =	sdelay $0x1  }
0x8d: {  	s12 =	smov.u32 s20;
	[sflag:s15] =	ssyncset.s32 $0x0  }
0x8e: {  	[sflag:s15] =	ssyncset.done $0x0;
	s15 =	simm.s32 $0xE;
	p0 =	seq.s32 s16, $0x1  }
0x8f: {  	s0 =	simm.s32 $0x50000;
	[sflag:s15] =	ssyncset.done $0x0;
	s12 =	simm.s32 @!p0 $0x0  }
0x90: {  	[smem:s0], [sflag:$0xE] =	smem.add.s32 s12  }
0x91: {  	_ =	swait.done [sflag:s15]  }
0x92: {  	s16 =	sld [smem:$0x7F6];
	_ =	sdelay $0x1  }
0x93: {  	s12 =	smov.u32 s20;
	[sflag:s15] =	ssyncset.s32 $0x0  }
0x94: {  	[sflag:s15] =	ssyncset.done $0x0;
	s15 =	simm.s32 $0xF;
	p0 =	seq.s32 s16, $0x1  }
0x95: {  	s0 =	simm.s32 $0x60000;
	[sflag:s15] =	ssyncset.done $0x0;
	s12 =	simm.s32 @!p0 $0x0  }
0x96: {  	[smem:s0], [sflag:$0xF] =	smem.add.s32 s12  }
0x97: {  	_ =	swait.done [sflag:s15]  }
0x98: {  	s16 =	sld [smem:$0x7F8];
	_ =	sdelay $0x1  }
0x99: {  	s12 =	smov.u32 s20;
	[sflag:s15] =	ssyncset.s32 $0x0  }
0x9a: {  	[sflag:s15] =	ssyncset.done $0x0;
	s15 =	simm.s32 $0x10;
	p0 =	seq.s32 s16, $0x1  }
0x9b: {  	s0 =	simm.s32 $0x70000;
	[sflag:s15] =	ssyncset.done $0x0;
	s12 =	simm.s32 @!p0 $0x0  }
0x9c: {  	[smem:s0], [sflag:$0x10] =	smem.add.s32 s12  }
0x9d: {  	_ =	swait.done [sflag:s15]  }
0x9e: {  	[sflag:s15] =	ssyncset.s32 $0x0  }
0x9f: {  	s16 =	simm.s32 $0x11;
	[sflag:s15] =	ssyncset.done $0x0  }
0xa0: {  	s0 =	simm.s32 $0x80000;
	[sflag:s16] =	ssyncset.done $0x0  }
0xa1: {  	[smem:s0], [sflag:$0x11] =	smem.add.s32 $0x0  }
0xa2: {  	_ =	swait.done [sflag:s16]  }
0xa3: {  	[sflag:s16] =	ssyncset.s32 $0x0  }
0xa4: {  	[sflag:s16] =	ssyncset.done $0x0;
	s16 =	sld [smem:$0x7FA];
	_ =	sdelay $0x2  }
0xa5: {  	s12 =	smov.u32 s20;
	s15 =	simm.s32 $0x12;
	p0 =	seq.s32 s16, $0x1  }
0xa6: {  	s0 =	simm.s32 $0x90000;
	[sflag:s15] =	ssyncset.done $0x0;
	s12 =	simm.s32 @!p0 $0x0  }
0xa7: {  	[smem:s0], [sflag:$0x12] =	smem.add.s32 s12  }
0xa8: {  	_ =	swait.done [sflag:s15]  }
0xa9: {  	s16 =	sld [smem:$0x7FB];
	_ =	sdelay $0x1  }
0xaa: {  	s12 =	smov.u32 s20;
	[sflag:s15] =	ssyncset.s32 $0x0  }
0xab: {  	[sflag:s15] =	ssyncset.done $0x0;
	s15 =	simm.s32 $0x13;
	p0 =	seq.s32 s16, $0x1  }
0xac: {  	s0 =	simm.s32 $0xA0000;
	[sflag:s15] =	ssyncset.done $0x0;
	s12 =	simm.s32 @!p0 $0x0  }
0xad: {  	[smem:s0], [sflag:$0x13] =	smem.add.s32 s12  }
0xae: {  	_ =	swait.done [sflag:s15]  }
0xaf: {  	s16 =	sld [smem:$0x7FC];
	_ =	sdelay $0x1  }
0xb0: {  	s12 =	smov.u32 s20;
	[sflag:s15] =	ssyncset.s32 $0x0  }
0xb1: {  	[sflag:s15] =	ssyncset.done $0x0;
	s15 =	simm.s32 $0x14;
	p0 =	seq.s32 s16, $0x1  }
0xb2: {  	s0 =	simm.s32 $0xB0000;
	[sflag:s15] =	ssyncset.done $0x0;
	s12 =	simm.s32 @!p0 $0x0  }
0xb3: {  	[smem:s0], [sflag:$0x14] =	smem.add.s32 s12  }
0xb4: {  	_ =	swait.done [sflag:s15]  }
0xb5: {  	s16 =	sld [smem:$0x7FD];
	_ =	sdelay $0x1  }
0xb6: {  	s12 =	smov.u32 s20;
	[sflag:s15] =	ssyncset.s32 $0x0  }
0xb7: {  	[sflag:s15] =	ssyncset.done $0x0;
	s15 =	simm.s32 $0x15;
	p0 =	seq.s32 s16, $0x1  }
0xb8: {  	s0 =	simm.s32 $0xC0000;
	[sflag:s15] =	ssyncset.done $0x0;
	s12 =	simm.s32 @!p0 $0x0  }
0xb9: {  	[smem:s0], [sflag:$0x15] =	smem.add.s32 s12  }
0xba: {  	_ =	swait.done [sflag:s15]  }
0xbb: {  	[sflag:s15] =	ssyncset.s32 $0x0  }
0xbc: {  	s12 =	smov.u32 s20;
	[sflag:s15] =	ssyncset.done $0x0;
	s15 =	simm.s32 $0x16  }
0xbd: {  	s0 =	simm.s32 $0xD0000;
	s12 =	simm.s32 @!p1 $0x0;
	[sflag:s15] =	ssyncset.done $0x0  }
0xbe: {  	[smem:s0], [sflag:$0x16] =	smem.add.s32 s12  }
0xbf: {  	_ =	swait.done [sflag:s15]  }
0xc0: {  	[sflag:s15] =	ssyncset.s32 $0x0  }
0xc1: {  	s12 =	smov.u32 s20;
	[sflag:s15] =	ssyncset.done $0x0;
	s15 =	simm.s32 $0x17  }
0xc2: {  	s0 =	simm.s32 $0xE0000;
	s12 =	simm.s32 @!p2 $0x0;
	[sflag:s15] =	ssyncset.done $0x0  }
0xc3: {  	[smem:s0], [sflag:$0x17] =	smem.add.s32 s12  }
0xc4: {  	_ =	swait.done [sflag:s15]  }
0xc5: {  	[sflag:s15] =	ssyncset.s32 $0x0  }
0xc6: {  	s0 =	simm.s32 $0x18;
	[sflag:s15] =	ssyncset.done $0x0  }
0xc7: {  	s16 =	simm.s32 $0xF0000;
	s20 =	simm.s32 @!p3 $0x0;
	[sflag:s0] =	ssyncset.done $0x0  }
0xc8: {  	[smem:s16], [sflag:$0x18] =	smem.add.s32 s20  }
0xc9: {  	_ =	swait.done [sflag:s0]  }
0xca: {  	[sflag:s0] =	ssyncset.s32 $0x0  }
0xcb: {  	[sflag:s0] =	ssyncset.done $0x0  }
0xcc: {  	[bflag:$0x0] =	sbarrier.arrive $0xFFFF  }
0xcd: {  	s20 =	sld [smem:$0x0];
	_ =	sdelay $0x2  }
0xce: {  	v8 =	vmov s20  }
0xcf: {  	s15 =	simm.s32 $0x0;
	v8 =	vadd.s32 $0x1, v8  }
0xd0: {  	s16 =	simm.s32 $0x40;
	v9 =	vld [tilespmem:s15+$0x0];
	v8 =	vbroadcast v8, $0x0  }
.LBB2_4:
0xd1: {  	p0 =	sne.s32 s16, $0xFC0;
	v10 =	vld [tilespmem:s15+$0x400];
	_ =	sdelay $0x2  }
.Ltmp1:
0xd2: {  	(pc) =	sbr.rel @p0 .LBB2_4-.Ltmp1, $4  }
0xd3: {  	_ = 	snop  }
0xd4: {  	vm4 =	veq.s32 v9, $0x1;
	v9 =	vadd.s32 v10, v8  }
0xd5: {  	s12 =	sshra.s32 s16, $0x2;
	v10 =	vsel vm4, $0x1, v9  }
0xd6: {  	s16 =	sadd.s32 $0x40, s16;
	v9 =	vld [tilespmem:s12+$0x0];
	[tilespmem:s15+$0x400] =	vst v10;
	s15 =	smov.u32 s12  }
0xd7: {  	v10 =	vld [tilespmem:s15+$0x400];
	_ =	sdelay $0x4  }
0xd8: {  	vm4 =	veq.s32 v9, $0x1;
	v8 =	vadd.s32 v10, v8  }
0xd9: {  	v8 =	vsel vm4, $0x1, v8  }
0xda: {  	[tilespmem:s15+$0x400] =	vst v8  }
0xdb: {  	v8 =	vld.msk [tilespmem:$0x400], $0xff;
	_ =	sdelay $0x4  }
0xdc: {  	v60 =	vshll.u32 v8, $0x4  }
0xdd: {  	v8 =	vand.u32 $0x7, v8;
	v9 =	vand.u32 $0xFFFFFF80, v60  }
0xde: {  	v8 =	vor.u32 v8, v9  }
0xdf: {  	v8 =	vperm.xlane v8, v6;
	_ =	sdelay $0x1  }
0xe0: {  	v8 =	vadd.s32 v7, v8;
	_ =	sdelay $0x3  }
0xe1: {  	s20 =	simm.s32 $0x0  }
0xe2: {  	[tilespmem:s2], [sflag:$0x1] =	stream.indirect_vreg.gather [hbm4b:s1+s20], $0x80, v8, vm3, $0xb8;
	[tilespmem:$0x10800] =	vst v63  }
0xe3: {  	s0 =	simm.s32 $0x1000  }
0xe4: {  	[tilespmem:s0], [sflag:$0x1] =	stream.indirect_vreg.gather [hbm4b:s5+s20], $0x80, v8, vm3, $0xb8;
	[tilespmem:$0x10800] =	vst v63  }
0xe5: {  	s2 =	simm.s32 $0x1800  }
0xe6: {  	[tilespmem:s2], [sflag:$0x1] =	stream.indirect_vreg.gather [hbm4b:s6+s20], $0x80, v8, vm3, $0xb8;
	[tilespmem:$0x10800] =	vst v63  }
0xe7: {  	s12 =	simm.s32 $0x2000  }
0xe8: {  	[tilespmem:s12], [sflag:$0x1] =	stream.indirect_vreg.gather [hbm4b:s7+s20], $0x80, v8, vm3, $0xb8;
	[tilespmem:$0x10800] =	vst v63  }
0xe9: {  	s15 =	simm.s32 $0x2800  }
0xea: {  	[tilespmem:s15], [sflag:$0x1] =	stream.indirect_vreg.gather [hbm4b:s8+s20], $0x80, v8, vm3, $0xb8;
	[tilespmem:$0x10800] =	vst v63  }
0xeb: {  	s16 =	simm.s32 $0x3000  }
0xec: {  	[tilespmem:s16], [sflag:$0x1] =	stream.indirect_vreg.gather [hbm4b:s9+s20], $0x80, v8, vm3, $0xb8;
	[tilespmem:$0x10800] =	vst v63  }
0xed: {  	s2 =	simm.s32 $0x3800  }
0xee: {  	[tilespmem:s2], [sflag:$0x1] =	stream.indirect_vreg.gather [hbm4b:s10+s20], $0x80, v8, vm3, $0xb8;
	[tilespmem:$0x10800] =	vst v63  }
0xef: {  	s12 =	simm.s32 $0x4000  }
0xf0: {  	[tilespmem:s12], [sflag:$0x1] =	stream.indirect_vreg.gather [hbm4b:s11+s20], $0x80, v8, vm3, $0xb8;
	[tilespmem:$0x10800] =	vst v63  }
0xf1: {  	v8 =	vld.msk [tilespmem:$0x408], $0xff;
	_ =	sdelay $0x4  }
0xf2: {  	v61 =	vshll.u32 v8, $0x4  }
0xf3: {  	v8 =	vand.u32 $0x7, v8;
	v9 =	vand.u32 $0xFFFFFF80, v61  }
0xf4: {  	v8 =	vor.u32 v8, v9  }
0xf5: {  	v8 =	vperm.xlane v8, v6;
	_ =	sdelay $0x1  }
0xf6: {  	v8 =	vadd.s32 v7, v8;
	_ =	sdelay $0x3  }
0xf7: {  	s0 =	simm.s32 $0x4800  }
0xf8: {  	[tilespmem:s0], [sflag:$0x2] =	stream.indirect_vreg.gather [hbm4b:s1+s20], $0x80, v8, vm3, $0xb8;
	[tilespmem:$0x10800] =	vst v63  }
0xf9: {  	s15 =	simm.s32 $0x5000  }
0xfa: {  	[tilespmem:s15], [sflag:$0x2] =	stream.indirect_vreg.gather [hbm4b:s5+s20], $0x80, v8, vm3, $0xb8;
	[tilespmem:$0x10800] =	vst v63  }
0xfb: {  	s16 =	simm.s32 $0x5800  }
0xfc: {  	[tilespmem:s16], [sflag:$0x2] =	stream.indirect_vreg.gather [hbm4b:s6+s20], $0x80, v8, vm3, $0xb8;
	[tilespmem:$0x10800] =	vst v63  }
0xfd: {  	s12 =	simm.s32 $0x6000  }
0xfe: {  	[tilespmem:s12], [sflag:$0x2] =	stream.indirect_vreg.gather [hbm4b:s7+s20], $0x80, v8, vm3, $0xb8;
	[tilespmem:$0x10800] =	vst v63  }
0xff: {  	s15 =	simm.s32 $0x6800  }
0x100: {  	[tilespmem:s15], [sflag:$0x2] =	stream.indirect_vreg.gather [hbm4b:s8+s20], $0x80, v8, vm3, $0xb8;
	[tilespmem:$0x10800] =	vst v63  }
0x101: {  	s16 =	simm.s32 $0x7000  }
0x102: {  	[tilespmem:s16], [sflag:$0x2] =	stream.indirect_vreg.gather [hbm4b:s9+s20], $0x80, v8, vm3, $0xb8;
	[tilespmem:$0x10800] =	vst v63  }
0x103: {  	s12 =	simm.s32 $0x7800  }
0x104: {  	[tilespmem:s12], [sflag:$0x2] =	stream.indirect_vreg.gather [hbm4b:s10+s20], $0x80, v8, vm3, $0xb8;
	[tilespmem:$0x10800] =	vst v63  }
0x105: {  	s15 =	simm.s32 $0x8000  }
0x106: {  	[tilespmem:s15], [sflag:$0x2] =	stream.indirect_vreg.gather [hbm4b:s11+s20], $0x80, v8, vm3, $0xb8;
	[tilespmem:$0x10800] =	vst v63  }
0x107: {  	_ =	swait.ge [sflag:s14], $0x4000  }
0x108: {  	[sflag:s14] =	ssyncset.done $0x0  }
0x109: {  	s12 =	rddreg [dreg:$0x6];
	[sflag:s14] =	ssyncadd.s32 $0xFFFFC000  }
0x10a: {  	[hbm4b:s12+s20] =	stream.linear.scatter [tilespmem:s23], [sflag:$0x5], $0x4000, $0x38;
	[tilespmem:$0x10800] =	vst v63  }
0x10b: {  	v8 =	vld.msk [tilespmem:$0x410], $0xff;
	_ =	sdelay $0x4  }
0x10c: {  	v62 =	vshll.u32 v8, $0x4  }
0x10d: {  	v8 =	vand.u32 $0x7, v8;
	v9 =	vand.u32 $0xFFFFFF80, v62  }
0x10e: {  	v8 =	vor.u32 v8, v9  }
0x10f: {  	v8 =	vperm.xlane v8, v6;
	_ =	sdelay $0x1  }
0x110: {  	v8 =	vadd.s32 v7, v8;
	_ =	sdelay $0x3  }
0x111: {  	s14 =	simm.s32 $0x8800  }
0x112: {  	[tilespmem:s14], [sflag:$0x3] =	stream.indirect_vreg.gather [hbm4b:s1+s20], $0x80, v8, vm3, $0xb8;
	[tilespmem:$0x10800] =	vst v63  }
0x113: {  	s16 =	simm.s32 $0x9000  }
0x114: {  	[tilespmem:s16], [sflag:$0x3] =	stream.indirect_vreg.gather [hbm4b:s5+s20], $0x80, v8, vm3, $0xb8;
	[tilespmem:$0x10800] =	vst v63  }
0x115: {  	s12 =	simm.s32 $0x9800  }
0x116: {  	[tilespmem:s12], [sflag:$0x3] =	stream.indirect_vreg.gather [hbm4b:s6+s20], $0x80, v8, vm3, $0xb8;
	[tilespmem:$0x10800] =	vst v63  }
0x117: {  	s15 =	simm.s32 $0xA000  }
0x118: {  	[tilespmem:s15], [sflag:$0x3] =	stream.indirect_vreg.gather [hbm4b:s7+s20], $0x80, v8, vm3, $0xb8;
	[tilespmem:$0x10800] =	vst v63  }
0x119: {  	s16 =	simm.s32 $0xA800  }
0x11a: {  	[tilespmem:s16], [sflag:$0x3] =	stream.indirect_vreg.gather [hbm4b:s8+s20], $0x80, v8, vm3, $0xb8;
	[tilespmem:$0x10800] =	vst v63  }
0x11b: {  	s12 =	simm.s32 $0xB000  }
0x11c: {  	[tilespmem:s12], [sflag:$0x3] =	stream.indirect_vreg.gather [hbm4b:s9+s20], $0x80, v8, vm3, $0xb8;
	[tilespmem:$0x10800] =	vst v63  }
0x11d: {  	s15 =	simm.s32 $0xB800  }
0x11e: {  	[tilespmem:s15], [sflag:$0x3] =	stream.indirect_vreg.gather [hbm4b:s10+s20], $0x80, v8, vm3, $0xb8;
	[tilespmem:$0x10800] =	vst v63  }
0x11f: {  	_ = 	snop  }
0x120: {  	[tilespmem:s28], [sflag:$0x3] =	stream.indirect_vreg.gather [hbm4b:s11+s20], $0x80, v8, vm3, $0xb8;
	[tilespmem:$0x10800] =	vst v63  }
0x121: {  	s28 =	simm.s32 $0x2  }
0x122: {  	_ =	swait.ge [sflag:s28], $0x4000  }
0x123: {  	[sflag:s28] =	ssyncset.done $0x0  }
0x124: {  	s16 =	rddreg [dreg:$0x7];
	[sflag:s28] =	ssyncadd.s32 $0xFFFFC000  }
0x125: {  	[hbm4b:s16+s20] =	stream.linear.scatter [tilespmem:s0], [sflag:$0x6], $0x4000, $0x38;
	[tilespmem:$0x10800] =	vst v63  }
0x126: {  	v8 =	vld.msk [tilespmem:$0x418], $0xff;
	_ =	sdelay $0x4  }
0x127: {  	v63 =	vshll.u32 v8, $0x4  }
0x128: {  	v8 =	vand.u32 $0x7, v8;
	v9 =	vand.u32 $0xFFFFFF80, v63  }
0x129: {  	v8 =	vor.u32 v8, v9  }
0x12a: {  	v8 =	vperm.xlane v8, v6;
	_ =	sdelay $0x1  }
0x12b: {  	v8 =	vadd.s32 v7, v8;
	_ =	sdelay $0x4  }
0x12c: {  	[tilespmem:s31], [sflag:$0x4] =	stream.indirect_vreg.gather [hbm4b:s1+s20], $0x80, v8, vm3, $0xb8;
	[tilespmem:$0x10800] =	vst v63  }
0x12d: {  	_ = 	snop  }
0x12e: {  	[tilespmem:s29], [sflag:$0x4] =	stream.indirect_vreg.gather [hbm4b:s5+s20], $0x80, v8, vm3, $0xb8;
	[tilespmem:$0x10800] =	vst v63  }
0x12f: {  	_ = 	snop  }
0x130: {  	[tilespmem:s30], [sflag:$0x4] =	stream.indirect_vreg.gather [hbm4b:s6+s20], $0x80, v8, vm3, $0xb8;
	[tilespmem:$0x10800] =	vst v63  }
0x131: {  	_ = 	snop  }
0x132: {  	[tilespmem:s4], [sflag:$0x4] =	stream.indirect_vreg.gather [hbm4b:s7+s20], $0x80, v8, vm3, $0xb8;
	[tilespmem:$0x10800] =	vst v63  }
0x133: {  	_ = 	snop  }
0x134: {  	[tilespmem:s13], [sflag:$0x4] =	stream.indirect_vreg.gather [hbm4b:s8+s20], $0x80, v8, vm3, $0xb8;
	[tilespmem:$0x10800] =	vst v63  }
0x135: {  	_ = 	snop  }
0x136: {  	[tilespmem:s18], [sflag:$0x4] =	stream.indirect_vreg.gather [hbm4b:s9+s20], $0x80, v8, vm3, $0xb8;
	[tilespmem:$0x10800] =	vst v63  }
0x137: {  	_ = 	snop  }
0x138: {  	[tilespmem:s19], [sflag:$0x4] =	stream.indirect_vreg.gather [hbm4b:s10+s20], $0x80, v8, vm3, $0xb8;
	[tilespmem:$0x10800] =	vst v63  }
0x139: {  	s2 =	simm.s32 $0x3;
	s19 =	simm.s32 $0x10000  }
0x13a: {  	[tilespmem:s19], [sflag:$0x4] =	stream.indirect_vreg.gather [hbm4b:s11+s20], $0x80, v8, vm3, $0xb8;
	[tilespmem:$0x10800] =	vst v63  }
0x13b: {  	s15 =	simm.s32 $0x438;
	s18 =	simm.s32 $0x4;
	s19 =	simm.s32 $0x6  }
.LBB2_6:
0x13c: {  	_ =	swait.ge [sflag:s2], $0x4000  }
0x13d: {  	s12 =	rddreg [dreg:$0x4]  }
0x13e: {  	[sflag:s2] =	ssyncset.done $0x0;
	s16 =	sadd.s32 s20, s12  }
0x13f: {  	[sflag:s2] =	ssyncadd.s32 $0xFFFFC000;
	s12 =	sadd.s32 $0x1000, s16  }
0x140: {  	[hbm4b:s12+s3] =	stream.linear.scatter [tilespmem:s14], [sflag:$0x7], $0x4000, $0x38;
	[tilespmem:$0x10800] =	vst v63  }
0x141: {  	_ =	swait.ge [sflag:s24], $0x4000  }
0x142: {  	[sflag:s24] =	ssyncset.done $0x0  }
0x143: {  	[sflag:s24] =	ssyncadd.s32 $0xFFFFC000  }
0x144: {  	v8 =	vld.msk [tilespmem:s15+$0xFFFFFFE8], $0xff;
	_ =	sdelay $0x4  }
0x145: {  	v9 =	vshll.u32 v8, $0x4  }
0x146: {  	v8 =	vand.u32 $0x7, v8;
	v9 =	vand.u32 $0xFFFFFF80, v9  }
0x147: {  	v8 =	vor.u32 v8, v9  }
0x148: {  	v8 =	vperm.xlane v8, v6;
	_ =	sdelay $0x1  }
0x149: {  	v8 =	vadd.s32 v7, v8;
	_ =	sdelay $0x4  }
0x14a: {  	[tilespmem:s23], [sflag:$0x1] =	stream.indirect_vreg.gather [hbm4b:s1+s3], $0x80, v8, vm3, $0xb8;
	[tilespmem:$0x10800] =	vst v63  }
0x14b: {  	s12 =	simm.s32 $0x1000  }
0x14c: {  	[tilespmem:s12], [sflag:$0x1] =	stream.indirect_vreg.gather [hbm4b:s5+s3], $0x80, v8, vm3, $0xb8;
	[tilespmem:$0x10800] =	vst v63  }
0x14d: {  	s12 =	simm.s32 $0x1800  }
0x14e: {  	[tilespmem:s12], [sflag:$0x1] =	stream.indirect_vreg.gather [hbm4b:s6+s3], $0x80, v8, vm3, $0xb8;
	[tilespmem:$0x10800] =	vst v63  }
0x14f: {  	s12 =	simm.s32 $0x2000  }
0x150: {  	[tilespmem:s12], [sflag:$0x1] =	stream.indirect_vreg.gather [hbm4b:s7+s3], $0x80, v8, vm3, $0xb8;
	[tilespmem:$0x10800] =	vst v63  }
0x151: {  	s12 =	simm.s32 $0x2800  }
0x152: {  	[tilespmem:s12], [sflag:$0x1] =	stream.indirect_vreg.gather [hbm4b:s8+s3], $0x80, v8, vm3, $0xb8;
	[tilespmem:$0x10800] =	vst v63  }
0x153: {  	s12 =	simm.s32 $0x3000  }
0x154: {  	[tilespmem:s12], [sflag:$0x1] =	stream.indirect_vreg.gather [hbm4b:s9+s3], $0x80, v8, vm3, $0xb8;
	[tilespmem:$0x10800] =	vst v63  }
0x155: {  	s12 =	simm.s32 $0x3800  }
0x156: {  	[tilespmem:s12], [sflag:$0x1] =	stream.indirect_vreg.gather [hbm4b:s10+s3], $0x80, v8, vm3, $0xb8;
	[tilespmem:$0x10800] =	vst v63  }
0x157: {  	s12 =	simm.s32 $0x4000  }
0x158: {  	[tilespmem:s12], [sflag:$0x1] =	stream.indirect_vreg.gather [hbm4b:s11+s3], $0x80, v8, vm3, $0xb8;
	[tilespmem:$0x10800] =	vst v63  }
0x159: {  	_ =	swait.ge [sflag:s18], $0x4000  }
0x15a: {  	[sflag:s18] =	ssyncset.done $0x0  }
0x15b: {  	s12 =	sadd.s32 $0x1800, s16;
	[sflag:s18] =	ssyncadd.s32 $0xFFFFC000  }
0x15c: {  	[hbm4b:s12+s3] =	stream.linear.scatter [tilespmem:s31], [sflag:$0x8], $0x4000, $0x38;
	[tilespmem:$0x10800] =	vst v63  }
0x15d: {  	_ =	swait.ge [sflag:s19], $0x4000  }
0x15e: {  	[sflag:s19] =	ssyncset.done $0x0  }
0x15f: {  	[sflag:s19] =	ssyncadd.s32 $0xFFFFC000  }
0x160: {  	v8 =	vld.msk [tilespmem:s15+$0xFFFFFFF0], $0xff;
	_ =	sdelay $0x4  }
0x161: {  	v61 =	vshll.u32 v8, $0x4  }
0x162: {  	v8 =	vand.u32 $0x7, v8;
	v9 =	vand.u32 $0xFFFFFF80, v61  }
0x163: {  	v8 =	vor.u32 v8, v9  }
0x164: {  	v8 =	vperm.xlane v8, v6;
	_ =	sdelay $0x1  }
0x165: {  	v8 =	vadd.s32 v7, v8;
	_ =	sdelay $0x4  }
0x166: {  	[tilespmem:s0], [sflag:$0x2] =	stream.indirect_vreg.gather [hbm4b:s1+s3], $0x80, v8, vm3, $0xb8;
	[tilespmem:$0x10800] =	vst v63  }
0x167: {  	s12 =	simm.s32 $0x5000  }
0x168: {  	[tilespmem:s12], [sflag:$0x2] =	stream.indirect_vreg.gather [hbm4b:s5+s3], $0x80, v8, vm3, $0xb8;
	[tilespmem:$0x10800] =	vst v63  }
0x169: {  	s12 =	simm.s32 $0x5800  }
0x16a: {  	[tilespmem:s12], [sflag:$0x2] =	stream.indirect_vreg.gather [hbm4b:s6+s3], $0x80, v8, vm3, $0xb8;
	[tilespmem:$0x10800] =	vst v63  }
0x16b: {  	s12 =	simm.s32 $0x6000  }
0x16c: {  	[tilespmem:s12], [sflag:$0x2] =	stream.indirect_vreg.gather [hbm4b:s7+s3], $0x80, v8, vm3, $0xb8;
	[tilespmem:$0x10800] =	vst v63  }
0x16d: {  	s12 =	simm.s32 $0x6800  }
0x16e: {  	[tilespmem:s12], [sflag:$0x2] =	stream.indirect_vreg.gather [hbm4b:s8+s3], $0x80, v8, vm3, $0xb8;
	[tilespmem:$0x10800] =	vst v63  }
0x16f: {  	s12 =	simm.s32 $0x7000  }
0x170: {  	[tilespmem:s12], [sflag:$0x2] =	stream.indirect_vreg.gather [hbm4b:s9+s3], $0x80, v8, vm3, $0xb8;
	[tilespmem:$0x10800] =	vst v63  }
0x171: {  	s12 =	simm.s32 $0x7800  }
0x172: {  	[tilespmem:s12], [sflag:$0x2] =	stream.indirect_vreg.gather [hbm4b:s10+s3], $0x80, v8, vm3, $0xb8;
	[tilespmem:$0x10800] =	vst v63  }
0x173: {  	s12 =	simm.s32 $0x8000  }
0x174: {  	[tilespmem:s12], [sflag:$0x2] =	stream.indirect_vreg.gather [hbm4b:s11+s3], $0x80, v8, vm3, $0xb8;
	[tilespmem:$0x10800] =	vst v63  }
0x175: {  	_ =	swait.ge [sflag:s17], $0x4000  }
0x176: {  	[sflag:s17] =	ssyncset.done $0x0  }
0x177: {  	s12 =	sadd.s32 $0x2000, s16;
	[sflag:s17] =	ssyncadd.s32 $0xFFFFC000  }
0x178: {  	[hbm4b:s12+s3] =	stream.linear.scatter [tilespmem:s23], [sflag:$0x5], $0x4000, $0x38;
	[tilespmem:$0x10800] =	vst v63  }
0x179: {  	_ =	swait.ge [sflag:s22], $0x4000  }
0x17a: {  	[sflag:s22] =	ssyncset.done $0x0  }
0x17b: {  	[sflag:s22] =	ssyncadd.s32 $0xFFFFC000  }
0x17c: {  	v8 =	vld.msk [tilespmem:s15+$0xFFFFFFF8], $0xff;
	_ =	sdelay $0x4  }
0x17d: {  	v62 =	vshll.u32 v8, $0x4  }
0x17e: {  	v8 =	vand.u32 $0x7, v8;
	v9 =	vand.u32 $0xFFFFFF80, v62  }
0x17f: {  	v8 =	vor.u32 v8, v9  }
0x180: {  	v8 =	vperm.xlane v8, v6;
	_ =	sdelay $0x1  }
0x181: {  	v8 =	vadd.s32 v7, v8;
	_ =	sdelay $0x4  }
0x182: {  	[tilespmem:s14], [sflag:$0x3] =	stream.indirect_vreg.gather [hbm4b:s1+s3], $0x80, v8, vm3, $0xb8;
	[tilespmem:$0x10800] =	vst v63  }
0x183: {  	s12 =	simm.s32 $0x9000  }
0x184: {  	[tilespmem:s12], [sflag:$0x3] =	stream.indirect_vreg.gather [hbm4b:s5+s3], $0x80, v8, vm3, $0xb8;
	[tilespmem:$0x10800] =	vst v63  }
0x185: {  	s12 =	simm.s32 $0x9800  }
0x186: {  	[tilespmem:s12], [sflag:$0x3] =	stream.indirect_vreg.gather [hbm4b:s6+s3], $0x80, v8, vm3, $0xb8;
	[tilespmem:$0x10800] =	vst v63  }
0x187: {  	s12 =	simm.s32 $0xA000  }
0x188: {  	[tilespmem:s12], [sflag:$0x3] =	stream.indirect_vreg.gather [hbm4b:s7+s3], $0x80, v8, vm3, $0xb8;
	[tilespmem:$0x10800] =	vst v63  }
0x189: {  	s12 =	simm.s32 $0xA800  }
0x18a: {  	[tilespmem:s12], [sflag:$0x3] =	stream.indirect_vreg.gather [hbm4b:s8+s3], $0x80, v8, vm3, $0xb8;
	[tilespmem:$0x10800] =	vst v63  }
0x18b: {  	s12 =	simm.s32 $0xB000  }
0x18c: {  	[tilespmem:s12], [sflag:$0x3] =	stream.indirect_vreg.gather [hbm4b:s9+s3], $0x80, v8, vm3, $0xb8;
	[tilespmem:$0x10800] =	vst v63  }
0x18d: {  	s12 =	simm.s32 $0xB800  }
0x18e: {  	[tilespmem:s12], [sflag:$0x3] =	stream.indirect_vreg.gather [hbm4b:s10+s3], $0x80, v8, vm3, $0xb8;
	[tilespmem:$0x10800] =	vst v63  }
0x18f: {  	s12 =	simm.s32 $0xC000  }
0x190: {  	[tilespmem:s12], [sflag:$0x3] =	stream.indirect_vreg.gather [hbm4b:s11+s3], $0x80, v8, vm3, $0xb8;
	[tilespmem:$0x10800] =	vst v63  }
0x191: {  	_ =	swait.ge [sflag:s28], $0x4000  }
0x192: {  	[sflag:s28] =	ssyncset.done $0x0  }
0x193: {  	s12 =	sadd.s32 $0x2800, s16;
	[sflag:s28] =	ssyncadd.s32 $0xFFFFC000  }
0x194: {  	[hbm4b:s12+s3] =	stream.linear.scatter [tilespmem:s0], [sflag:$0x6], $0x4000, $0x38;
	[tilespmem:$0x10800] =	vst v63  }
0x195: {  	_ =	swait.ge [sflag:s25], $0x4000  }
0x196: {  	[sflag:s25] =	ssyncset.done $0x0  }
0x197: {  	[sflag:s25] =	ssyncadd.s32 $0xFFFFC000  }
0x198: {  	v8 =	vld.msk [tilespmem:s15+$0x0], $0xff;
	_ =	sdelay $0x4  }
0x199: {  	v63 =	vshll.u32 v8, $0x4  }
0x19a: {  	v8 =	vand.u32 $0x7, v8;
	v9 =	vand.u32 $0xFFFFFF80, v63  }
0x19b: {  	v8 =	vor.u32 v8, v9  }
0x19c: {  	v8 =	vperm.xlane v8, v6;
	_ =	sdelay $0x1  }
0x19d: {  	v8 =	vadd.s32 v7, v8;
	_ =	sdelay $0x4  }
0x19e: {  	[tilespmem:s31], [sflag:$0x4] =	stream.indirect_vreg.gather [hbm4b:s1+s3], $0x80, v8, vm3, $0xb8;
	[tilespmem:$0x10800] =	vst v63  }
0x19f: {  	_ = 	snop  }
0x1a0: {  	[tilespmem:s29], [sflag:$0x4] =	stream.indirect_vreg.gather [hbm4b:s5+s3], $0x80, v8, vm3, $0xb8;
	[tilespmem:$0x10800] =	vst v63  }
0x1a1: {  	_ = 	snop  }
0x1a2: {  	[tilespmem:s30], [sflag:$0x4] =	stream.indirect_vreg.gather [hbm4b:s6+s3], $0x80, v8, vm3, $0xb8;
	[tilespmem:$0x10800] =	vst v63  }
0x1a3: {  	_ = 	snop  }
0x1a4: {  	[tilespmem:s4], [sflag:$0x4] =	stream.indirect_vreg.gather [hbm4b:s7+s3], $0x80, v8, vm3, $0xb8;
	[tilespmem:$0x10800] =	vst v63  }
0x1a5: {  	_ = 	snop  }
0x1a6: {  	[tilespmem:s13], [sflag:$0x4] =	stream.indirect_vreg.gather [hbm4b:s8+s3], $0x80, v8, vm3, $0xb8;
	[tilespmem:$0x10800] =	vst v63  }
0x1a7: {  	p0 =	sne.s32 s20, $0x3C000  }
0x1a8: {  	[tilespmem:s26], [sflag:$0x4] =	stream.indirect_vreg.gather [hbm4b:s9+s3], $0x80, v8, vm3, $0xb8;
	[tilespmem:$0x10800] =	vst v63  }
.Ltmp2:
0x1a9: {  	_ = 	snop;
	(pc) =	sbr.rel @p0 .LBB2_6-.Ltmp2, $4  }
0x1aa: {  	_ = 	snop  }
0x1ab: {  	[tilespmem:s21], [sflag:$0x4] =	stream.indirect_vreg.gather [hbm4b:s10+s3], $0x80, v8, vm3, $0xb8;
	[tilespmem:$0x10800] =	vst v63  }
0x1ac: {  	s20 =	sadd.s32 $0x2000, s20;
	s16 =	simm.s32 $0x10000;
	s15 =	sadd.s32 $0x20, s15  }
0x1ad: {  	[tilespmem:s16], [sflag:$0x4] =	stream.indirect_vreg.gather [hbm4b:s11+s3], $0x80, v8, vm3, $0xb8;
	[tilespmem:$0x10800] =	vst v63  }
0x1ae: {  	_ =	swait.ge [sflag:s2], $0x4000  }
0x1af: {  	[sflag:s2] =	ssyncset.done $0x0  }
0x1b0: {  	s12 =	rddreg [dreg:$0x8];
	[sflag:s2] =	ssyncadd.s32 $0xFFFFC000  }
0x1b1: {  	[hbm4b:s12+s3] =	stream.linear.scatter [tilespmem:s14], [sflag:$0x7], $0x4000, $0x38;
	[tilespmem:$0x10800] =	vst v63  }
0x1b2: {  	_ =	swait.ge [sflag:s18], $0x4000  }
0x1b3: {  	[sflag:s18] =	ssyncset.done $0x0  }
0x1b4: {  	[sflag:s18] =	ssyncadd.s32 $0xFFFFC000;
	s18 =	rddreg [dreg:$0x9]  }
0x1b5: {  	[hbm4b:s18+s3] =	stream.linear.scatter [tilespmem:s31], [sflag:$0x8], $0x4000, $0x38;
	[tilespmem:$0x10800] =	vst v63  }
0x1b6: {  	_ =	swait.ge [sflag:s24], $0x4000  }
0x1b7: {  	[sflag:s24] =	ssyncset.done $0x0  }
0x1b8: {  	[sflag:s24] =	ssyncadd.s32 $0xFFFFC000  }
0x1b9: {  	_ =	swait.ge [sflag:s19], $0x4000  }
0x1ba: {  	[sflag:s19] =	ssyncset.done $0x0  }
0x1bb: {  	[sflag:s19] =	ssyncadd.s32 $0xFFFFC000  }
0x1bc: {  	_ =	swait.ge [sflag:s22], $0x4000  }
0x1bd: {  	[sflag:s22] =	ssyncset.done $0x0  }
0x1be: {  	[sflag:s22] =	ssyncadd.s32 $0xFFFFC000  }
0x1bf: {  	_ =	swait.ge [sflag:s25], $0x4000  }
0x1c0: {  	s0 =	rddreg [dreg:$0xb]  }
0x1c1: {  	s20 =	rddreg [dreg:$0xa];
	s0 =	sadd.s32 $0x1, s0  }
0x1c2: {  	p0 =	sne.s32 s0, s20  }
.Ltmp3:
0x1c3: {  	_ = 	snop;
	(pc) =	sbr.rel @p0 .LBB2_1-.Ltmp3, $4  }
0x1c4: {  	_ = 	snop  }
0x1c5: {  	s28 =	simm.s32 $0xC000  }
0x1c6: {  	s2 =	simm.s32 $0x800;
	s14 =	simm.s32 $0x1;
	[sflag:s25] =	ssyncset.done $0x0  }
0x1c7: {  	s18 =	simm.s32 $0xF000;
	s19 =	simm.s32 $0xF800;
	[sflag:s25] =	ssyncadd.s32 $0xFFFFC000  }
0x1c8: {  	_ =	sfence.sel $0x180000  }
0x1c9: {  	[bflag:$0x0] =	sbarrier.arrive $0xFFFF  }
0x1ca: {  	_ =	strace $0x90000047  }
0x1cb: {  	s0 =	stileid.u32;
	[bflag:$0x2] =	sbarrier.arrive $0xFFFF  }
0x1cc: {  	p0 =	sne.s32 s0, $0x0;
	s0 =	rddreg [dreg:$0x3]  }
0x1cd: {  	s0 =	sadd.s32 @!p0 $0x100000, s0  }
0x1ce: {  	[sflag:s0] =	ssyncadd.tile.s32 @!p0 $0x1;
	_ =	shalt  }
.Lfunc_end2:
_tile_overlayer_lowered:
.L_overlay_start_2:
0x1cf: {  	(tag) =	ssettag $0x2  }
0x1d0: {  	s0 =	rddreg [dreg:$0x0];
	s2 =	stileid.u32  }
0x1d1: {  	s1 =	rddreg [dreg:$0x1];
	p0 =	sne.s32 s2, $0x0  }
0x1d2: {  	s3 =	rddreg [dreg:$0x2];
	[bflag:$0x3] =	sbarrier.arrive $0xFFFF;
	s2 =	simm.s32 @!p0 $0x1C09  }
0x1d3: {  	[timem:s3], [sflag:s2] =	dma.local @!p0 [hbm:s0], s1  }
0x1d4: {  	s0 =	simm.s32 @!p0 $0x9  }
0x1d5: {  	_ =	swait.ge @!p0 [sflag:s0], s1  }
0x1d6: {  	s1 =	ssub.s32 @!p0 $0x0, s1;
	[sflag:s0] =	ssyncset.done @!p0 $0x0  }
0x1d7: {  	[sflag:s0] =	ssyncadd.s32 @!p0 s1  }
0x1d8: {  	[bflag:$0x3] =	sbarrier.arrive $0xFFFF  }
0x1d9: {  	_ =	shalt  }

</sc_bundles>
